<compile_context>
chip_gen: v7x
topology: tpu7x:2x2x1
jax: 0.10.2.dev20260603
libtpu: 0.0.44.dev20260713+nightly
codegen_flags: <defaults>
</compile_context>

<pallas_src>
import functools

import jax
import jax.numpy as jnp
from jax import lax
from jax.experimental import pallas as pl
from jax.experimental.pallas import tpu as pltpu
from jax.experimental.pallas import tpu_sc as plsc

_N = 10000
_E = 320000
_H = 128
_H2 = 256
_L = 4
_G = 64

_NC = 2
_NS = 16
_NW = _NC * _NS
_CHUNK = 128
_CPW = 80
_TOT_CH = _CPW * _NW
_EPAD = _TOT_CH * _CHUNK
_NPAD = _NS * 5 * _CHUNK
_RPS = _NPAD // _NS

_RB = 2000
_NBLK = _N // _RB


@functools.cache
def _make_sc_agg():
    mesh = plsc.VectorSubcoreMesh(core_axis_name="c", subcore_axis_name="s",
                                  num_cores=_NC, num_subcores=_NS)

    @functools.partial(
        pl.kernel,
        out_type=jax.ShapeDtypeStruct((_NC, _NPAD, _H), jnp.float32),
        mesh=mesh,
        scratch_types=[
            pltpu.VMEM((_CPW, _CHUNK), jnp.int32),
            pltpu.VMEM((_CPW, _CHUNK), jnp.int32),
            pltpu.VMEM((_CHUNK, _H), jnp.float32),
            pltpu.VMEM_SHARED((_NPAD, _H), jnp.float32),
            pltpu.SemaphoreType.DMA,
        ],
    )
    def agg_kernel(h_hbm, src_hbm, dst_hbm, zero_hbm, out_hbm,
                   src_v, dst_v, rows_v, agg_sh, sem):
        c = lax.axis_index("c")
        s = lax.axis_index("s")
        wid = c * _NS + s
        pltpu.sync_copy(zero_hbm, rows_v)
        row0 = s * _RPS
        for k in range(_RPS // _CHUNK):
            pltpu.sync_copy(rows_v, agg_sh.at[pl.ds(row0 + k * _CHUNK, _CHUNK)])
        plsc.subcore_barrier()
        base = wid * _CPW
        pltpu.sync_copy(src_hbm.at[pl.ds(base, _CPW)], src_v)
        pltpu.sync_copy(dst_hbm.at[pl.ds(base, _CPW)], dst_v)

        def body(j, carry):
            pltpu.async_copy(h_hbm.at[src_v.at[j]], rows_v, sem).wait()
            pltpu.sync_copy(rows_v, agg_sh.at[dst_v.at[j]], add=True)
            return carry

        lax.fori_loop(0, _CPW, body, 0)
        plsc.subcore_barrier()
        pltpu.sync_copy(agg_sh.at[pl.ds(row0, _RPS)],
                        out_hbm.at[c, pl.ds(row0, _RPS)])

    return agg_kernel


def _sc_agg(h, src2, dst2, zero_tile):
    return _make_sc_agg()(h, src2, dst2, zero_tile)


def _embed_body(x_ref, w_ref, o_ref):
    o_ref[...] = jnp.dot(x_ref[...], w_ref[...],
                         preferred_element_type=jnp.float32)


def _embed(xp, w0p):
    return pl.pallas_call(
        _embed_body,
        grid=(_NBLK,),
        in_specs=[pl.BlockSpec((_RB, 16), lambda i: (i, 0)),
                  pl.BlockSpec((16, _H), lambda i: (0, 0))],
        out_specs=pl.BlockSpec((_RB, _H), lambda i: (i, 0)),
        out_shape=jax.ShapeDtypeStruct((_N, _H), jnp.float32),
    )(xp, w0p)


def _mlp1_body(eps_ref, h_ref, part_ref, w_ref, b_ref, z1_ref, sum_ref, ss_ref):
    i = pl.program_id(0)
    z = h_ref[...] * (1.0 + eps_ref[0]) + part_ref[0] + part_ref[1]
    z1 = jnp.dot(z, w_ref[...], preferred_element_type=jnp.float32) + b_ref[...]
    z1_ref[...] = z1

    @pl.when(i == 0)
    def _():
        sum_ref[...] = jnp.zeros_like(sum_ref)
        ss_ref[...] = jnp.zeros_like(ss_ref)

    sum_ref[...] += jnp.sum(z1, axis=0)[None]
    ss_ref[...] += jnp.sum(z1 * z1, axis=0)[None]


def _mlp1(h, parts, w1, b1, eps_i):
    return pl.pallas_call(
        _mlp1_body,
        grid=(_NBLK,),
        in_specs=[
            pl.BlockSpec(memory_space=pltpu.SMEM),
            pl.BlockSpec((_RB, _H), lambda i: (i, 0)),
            pl.BlockSpec((_NC, _RB, _H), lambda i: (0, i, 0)),
            pl.BlockSpec((_H, _H2), lambda i: (0, 0)),
            pl.BlockSpec((1, _H2), lambda i: (0, 0)),
        ],
        out_specs=[
            pl.BlockSpec((_RB, _H2), lambda i: (i, 0)),
            pl.BlockSpec((1, _H2), lambda i: (0, 0)),
            pl.BlockSpec((1, _H2), lambda i: (0, 0)),
        ],
        out_shape=[
            jax.ShapeDtypeStruct((_N, _H2), jnp.float32),
            jax.ShapeDtypeStruct((1, _H2), jnp.float32),
            jax.ShapeDtypeStruct((1, _H2), jnp.float32),
        ],
    )(eps_i, h, parts, w1, b1)


def _mlp2_body(z1_ref, sum_ref, ss_ref, g_ref, be_ref, w_ref, b_ref,
               z2_ref, sum2_ref, ss2_ref):
    i = pl.program_id(0)
    mean = sum_ref[...] * (1.0 / _N)
    var = ss_ref[...] * (1.0 / _N) - mean * mean
    scale = g_ref[...] * lax.rsqrt(var + 1e-5)
    y = jnp.maximum((z1_ref[...] - mean) * scale + be_ref[...], 0.0)
    z2 = jnp.dot(y, w_ref[...], preferred_element_type=jnp.float32) + b_ref[...]
    z2_ref[...] = z2

    @pl.when(i == 0)
    def _():
        sum2_ref[...] = jnp.zeros_like(sum2_ref)
        ss2_ref[...] = jnp.zeros_like(ss2_ref)

    sum2_ref[...] += jnp.sum(z2, axis=0)[None]
    ss2_ref[...] += jnp.sum(z2 * z2, axis=0)[None]


def _mlp2(z1, s1, ss1, g1, be1, w2, b2):
    return pl.pallas_call(
        _mlp2_body,
        grid=(_NBLK,),
        in_specs=[
            pl.BlockSpec((_RB, _H2), lambda i: (i, 0)),
            pl.BlockSpec((1, _H2), lambda i: (0, 0)),
            pl.BlockSpec((1, _H2), lambda i: (0, 0)),
            pl.BlockSpec((1, _H2), lambda i: (0, 0)),
            pl.BlockSpec((1, _H2), lambda i: (0, 0)),
            pl.BlockSpec((_H2, _H), lambda i: (0, 0)),
            pl.BlockSpec((1, _H), lambda i: (0, 0)),
        ],
        out_specs=[
            pl.BlockSpec((_RB, _H), lambda i: (i, 0)),
            pl.BlockSpec((1, _H), lambda i: (0, 0)),
            pl.BlockSpec((1, _H), lambda i: (0, 0)),
        ],
        out_shape=[
            jax.ShapeDtypeStruct((_N, _H), jnp.float32),
            jax.ShapeDtypeStruct((1, _H), jnp.float32),
            jax.ShapeDtypeStruct((1, _H), jnp.float32),
        ],
    )(z1, s1, ss1, g1, be1, w2, b2)


def _mlp3_body(z2_ref, sum_ref, ss_ref, g_ref, be_ref, o_ref):
    mean = sum_ref[...] * (1.0 / _N)
    var = ss_ref[...] * (1.0 / _N) - mean * mean
    scale = g_ref[...] * lax.rsqrt(var + 1e-5)
    o_ref[...] = jnp.maximum((z2_ref[...] - mean) * scale + be_ref[...], 0.0)


def _mlp3(z2, s2, ss2, g2, be2):
    return pl.pallas_call(
        _mlp3_body,
        grid=(_NBLK,),
        in_specs=[
            pl.BlockSpec((_RB, _H), lambda i: (i, 0)),
            pl.BlockSpec((1, _H), lambda i: (0, 0)),
            pl.BlockSpec((1, _H), lambda i: (0, 0)),
            pl.BlockSpec((1, _H), lambda i: (0, 0)),
            pl.BlockSpec((1, _H), lambda i: (0, 0)),
        ],
        out_specs=pl.BlockSpec((_RB, _H), lambda i: (i, 0)),
        out_shape=jax.ShapeDtypeStruct((_N, _H), jnp.float32),
    )(z2, s2, ss2, g2, be2)


def _pool_body(h_ref, b_ref, o_ref, acc_ref, cnt_ref):
    i = pl.program_id(0)

    @pl.when(i == 0)
    def _():
        acc_ref[...] = jnp.zeros_like(acc_ref)
        cnt_ref[...] = jnp.zeros_like(cnt_ref)

    bb = b_ref[0, 0, :]
    onehot_t = (bb[None, :] ==
                lax.broadcasted_iota(jnp.int32, (_G, _RB), 0)).astype(jnp.float32)
    acc_ref[...] += jnp.dot(onehot_t, h_ref[...],
                            preferred_element_type=jnp.float32)
    cnt_ref[...] += jnp.broadcast_to(jnp.sum(onehot_t, axis=1)[:, None],
                                     (_G, _H))

    @pl.when(i == _NBLK - 1)
    def _():
        o_ref[...] = acc_ref[...] / jnp.maximum(cnt_ref[...], 1.0)


def _pool(h, batch3):
    return pl.pallas_call(
        _pool_body,
        grid=(_NBLK,),
        in_specs=[
            pl.BlockSpec((_RB, _H), lambda i: (i, 0)),
            pl.BlockSpec((1, 1, _RB), lambda i: (i, 0, 0)),
        ],
        out_specs=pl.BlockSpec((_G, _H), lambda i: (0, 0)),
        out_shape=jax.ShapeDtypeStruct((_G, _H), jnp.float32),
        scratch_shapes=[pltpu.VMEM((_G, _H), jnp.float32),
                        pltpu.VMEM((_G, _H), jnp.float32)],
    )(h, batch3)


def kernel(x, edge_index, batch, W0, b0, eps, W1, b1, g1, be1, W2, b2, g2, be2):
    ones_col = jnp.ones((_N, 1), jnp.float32)
    xp = jnp.concatenate(
        [x, ones_col, jnp.zeros((_N, 16 - 9 - 1), jnp.float32)], axis=1)
    w0p = jnp.concatenate(
        [W0, b0[None, :], jnp.zeros((16 - 9 - 1, _H), jnp.float32)], axis=0)

    pad = _EPAD - _E
    src2 = jnp.concatenate(
        [edge_index[0], jnp.zeros((pad,), jnp.int32)]).reshape(_TOT_CH, _CHUNK)
    dst2 = jnp.concatenate(
        [edge_index[1], jnp.full((pad,), _N, jnp.int32)]).reshape(_TOT_CH, _CHUNK)
    zero_tile = jnp.zeros((_CHUNK, _H), jnp.float32)
    batch3 = batch.reshape(_NBLK, 1, _RB)

    h = _embed(xp, w0p)
    for i in range(_L):
        parts = _sc_agg(h, src2, dst2, zero_tile)
        z1, s1, ss1 = _mlp1(h, parts, W1[i], b1[i][None], eps[i][None])
        z2, s2, ss2 = _mlp2(z1, s1, ss1, g1[i][None], be1[i][None],
                            W2[i], b2[i][None])
        h = _mlp3(z2, s2, ss2, g2[i][None], be2[i][None])
    return _pool(h, batch3)

# --- scband reference (transcript-rebuilt; emitter-appended) ---
"""Pipeline reference for scband-ginencoder-14439680049640 (READ-ONLY COPY).

The authoritative reference and input builder live on the scoring server;
editing this copy changes nothing except your own understanding.
"""

import jax, jax.numpy as jnp
import numpy as np

N = 10000
E = 320000
F_IN = 9
H = 128
L = 4
G = 64


def setup_inputs(seed: int = 0):
    key = jax.random.key(seed)
    ks = jax.random.split(key, 8)
    x = jax.random.normal(ks[0], (N, F_IN), dtype=jnp.float32)
    edge_index = jax.random.randint(ks[1], (2, E), 0, N, dtype=jnp.int32)
    batch = jnp.sort(jax.random.randint(ks[2], (N,), 0, G, dtype=jnp.int32))
    W0 = jax.random.normal(ks[3], (F_IN, H), dtype=jnp.float32) * 0.1
    b0 = jnp.zeros((H,), dtype=jnp.float32)
    eps = jnp.zeros((L,), dtype=jnp.float32)
    W1 = jax.random.normal(ks[4], (L, H, 2 * H), dtype=jnp.float32) * 0.05
    b1 = jnp.zeros((L, 2 * H), dtype=jnp.float32)
    g1 = jnp.ones((L, 2 * H), dtype=jnp.float32)
    be1 = jnp.zeros((L, 2 * H), dtype=jnp.float32)
    W2 = jax.random.normal(ks[5], (L, 2 * H, H), dtype=jnp.float32) * 0.05
    b2 = jnp.zeros((L, H), dtype=jnp.float32)
    g2 = jnp.ones((L, H), dtype=jnp.float32)
    be2 = jnp.zeros((L, H), dtype=jnp.float32)
    return {"x": x, "edge_index": edge_index, "batch": batch, "W0": W0, "b0": b0,
            "eps": eps, "W1": W1, "b1": b1, "g1": g1, "be1": be1,
            "W2": W2, "b2": b2, "g2": g2, "be2": be2}


def _batchnorm(h, g, b):
    m = jnp.mean(h, axis=0)
    v = jnp.var(h, axis=0)
    return (h - m) / jnp.sqrt(v + 1e-5) * g + b


def reference(x, edge_index, batch, W0, b0, eps, W1, b1, g1, be1, W2, b2, g2, be2):
    # atom embedding
    h = x @ W0 + b0
    src = edge_index[0]
    dst = edge_index[1]
    for i in range(L):
        # GINConv: aggregate sum of neighbor features, then MLP((1+eps)*x + agg)
        msgs = jnp.take(h, src, axis=0)
        agg = jax.ops.segment_sum(msgs, dst, num_segments=N)
        z = (1.0 + eps[i]) * h + agg
        # inner MLP: Linear -> BatchNorm1d -> ReLU -> Linear
        z = z @ W1[i] + b1[i]
        z = _batchnorm(z, g1[i], be1[i])
        z = jax.nn.relu(z)
        z = z @ W2[i] + b2[i]
        # outer BatchNorm + ReLU (dropout is identity in eval)
        z = _batchnorm(z, g2[i], be2[i])
        h = jax.nn.relu(z)
    # global_mean_pool
    sums = jax.ops.segment_sum(h, batch, num_segments=G)
    cnt = jax.ops.segment_sum(jnp.ones((N,), dtype=jnp.float32), batch, num_segments=G)
    return sums / jnp.clip(cnt, 1.0)[:, None]

if __name__ == "__main__":
    import jax
    _d = setup_inputs()
    print(jax.jit(kernel)(*tuple(_d.values())))

</pallas_src>

<mosaic_0001>
#map = affine_map<(d0, d1) -> (0, 0)>
#map1 = affine_map<(d0, d1) -> (0, 0, 0)>
module attributes {stable_mosaic.version = 14 : i64} {
  func.func @agg_kernel(%arg0: i32, %arg1: i32, %arg2: memref<10000x128xf32, #tpu.memory_space<hbm>>, %arg3: memref<2560x128xi32, #tpu.memory_space<hbm>>, %arg4: memref<2560x128xi32, #tpu.memory_space<hbm>>, %arg5: memref<128x128xf32, #tpu.memory_space<hbm>>, %arg6: memref<2x10240x128xf32, #tpu.memory_space<hbm>>, %arg7: memref<80x128xi32, #tpu.memory_space<vmem>>, %arg8: memref<80x128xi32, #tpu.memory_space<vmem>>, %arg9: memref<128x128xf32, #tpu.memory_space<vmem>>, %arg10: memref<10240x128xf32, #tpu.memory_space<vmem_shared>>, %arg11: memref<!tpu.dma_semaphore, #tpu.memory_space<semaphore_mem>>) attributes {dimension_semantics = [#tpu.dimension_semantics<core_parallel>, #tpu.dimension_semantics<subcore_parallel>], iteration_bounds = array<i64: 2, 16>, scalar_prefetch = 0 : i64, scratch_operands = 5 : i64, tpu.core_type = #tpu.core_type<sc_vector_subcore>, window_params = [{transform_indices = #map}, {transform_indices = #map}, {transform_indices = #map}, {transform_indices = #map}, {transform_indices = #map1}]} {
    %mul3A = arith.constant 16 : i32
    %mul3A_0 = arith.muli %arg0, %mul3A : i32
    %add3A = arith.addi %mul3A_0, %arg1 : i32
    "tpu.region"() ({
      %run_scoped3A = tpu.sem_alloc : memref<!tpu.dma_semaphore, #tpu.memory_space<semaphore_mem>>
      tpu.enqueue_dma source(%arg5 : memref<128x128xf32, #tpu.memory_space<hbm>>) target(%arg9 : memref<128x128xf32, #tpu.memory_space<vmem>>) target_semaphore(%run_scoped3A : memref<!tpu.dma_semaphore, #tpu.memory_space<semaphore_mem>>)
      tpu.wait_dma2 semaphore(%run_scoped3A : memref<!tpu.dma_semaphore, #tpu.memory_space<semaphore_mem>>) src(%arg5 : memref<128x128xf32, #tpu.memory_space<hbm>>) dst(%arg9 : memref<128x128xf32, #tpu.memory_space<vmem>>)
      tpu.yield
    }) : () -> ()
    %mul3A_1 = arith.constant 640 : i32
    %mul3A_2 = arith.muli %arg1, %mul3A_1 : i32
    %add3A_3 = arith.constant 0 : i32
    %add3A_4 = arith.addi %mul3A_2, %add3A_3 : i32
    "tpu.region"() ({
      %run_scoped3A = tpu.sem_alloc : memref<!tpu.dma_semaphore, #tpu.memory_space<semaphore_mem>>
      %dma_start3A = arith.constant 0 : i32
      %dma_start3A_21 = tpu.memref_slice %arg10[%add3A_4, %dma_start3A] : memref<10240x128xf32, #tpu.memory_space<vmem_shared>> -> memref<128x128xf32, #tpu.memory_space<vmem_shared>>
      %dma_start3A_22 = arith.constant 0 : i32
      %dma_start3A_23 = tpu.memref_slice %arg10[%add3A_4, %dma_start3A_22] : memref<10240x128xf32, #tpu.memory_space<vmem_shared>> -> memref<128x128xf32, #tpu.memory_space<vmem_shared>>
      tpu.enqueue_dma source(%arg9 : memref<128x128xf32, #tpu.memory_space<vmem>>) target(%dma_start3A_23 : memref<128x128xf32, #tpu.memory_space<vmem_shared>>) target_semaphore(%run_scoped3A : memref<!tpu.dma_semaphore, #tpu.memory_space<semaphore_mem>>)
      %dma_wait3A = arith.constant 0 : i32
      %dma_wait3A_24 = tpu.memref_slice %arg10[%add3A_4, %dma_wait3A] : memref<10240x128xf32, #tpu.memory_space<vmem_shared>> -> memref<128x128xf32, #tpu.memory_space<vmem_shared>>
      %dma_wait3A_25 = arith.constant 0 : i32
      %dma_wait3A_26 = tpu.memref_slice %arg10[%add3A_4, %dma_wait3A_25] : memref<10240x128xf32, #tpu.memory_space<vmem_shared>> -> memref<128x128xf32, #tpu.memory_space<vmem_shared>>
      tpu.wait_dma2 semaphore(%run_scoped3A : memref<!tpu.dma_semaphore, #tpu.memory_space<semaphore_mem>>) src(%arg9 : memref<128x128xf32, #tpu.memory_space<vmem>>) dst(%dma_wait3A_26 : memref<128x128xf32, #tpu.memory_space<vmem_shared>>)
      tpu.yield
    }) : () -> ()
    %add3A_5 = arith.constant 128 : i32
    %add3A_6 = arith.addi %mul3A_2, %add3A_5 : i32
    "tpu.region"() ({
      %run_scoped3A = tpu.sem_alloc : memref<!tpu.dma_semaphore, #tpu.memory_space<semaphore_mem>>
      %dma_start3A = arith.constant 0 : i32
      %dma_start3A_21 = tpu.memref_slice %arg10[%add3A_6, %dma_start3A] : memref<10240x128xf32, #tpu.memory_space<vmem_shared>> -> memref<128x128xf32, #tpu.memory_space<vmem_shared>>
      %dma_start3A_22 = arith.constant 0 : i32
      %dma_start3A_23 = tpu.memref_slice %arg10[%add3A_6, %dma_start3A_22] : memref<10240x128xf32, #tpu.memory_space<vmem_shared>> -> memref<128x128xf32, #tpu.memory_space<vmem_shared>>
      tpu.enqueue_dma source(%arg9 : memref<128x128xf32, #tpu.memory_space<vmem>>) target(%dma_start3A_23 : memref<128x128xf32, #tpu.memory_space<vmem_shared>>) target_semaphore(%run_scoped3A : memref<!tpu.dma_semaphore, #tpu.memory_space<semaphore_mem>>)
      %dma_wait3A = arith.constant 0 : i32
      %dma_wait3A_24 = tpu.memref_slice %arg10[%add3A_6, %dma_wait3A] : memref<10240x128xf32, #tpu.memory_space<vmem_shared>> -> memref<128x128xf32, #tpu.memory_space<vmem_shared>>
      %dma_wait3A_25 = arith.constant 0 : i32
      %dma_wait3A_26 = tpu.memref_slice %arg10[%add3A_6, %dma_wait3A_25] : memref<10240x128xf32, #tpu.memory_space<vmem_shared>> -> memref<128x128xf32, #tpu.memory_space<vmem_shared>>
      tpu.wait_dma2 semaphore(%run_scoped3A : memref<!tpu.dma_semaphore, #tpu.memory_space<semaphore_mem>>) src(%arg9 : memref<128x128xf32, #tpu.memory_space<vmem>>) dst(%dma_wait3A_26 : memref<128x128xf32, #tpu.memory_space<vmem_shared>>)
      tpu.yield
    }) : () -> ()
    %add3A_7 = arith.constant 256 : i32
    %add3A_8 = arith.addi %mul3A_2, %add3A_7 : i32
    "tpu.region"() ({
      %run_scoped3A = tpu.sem_alloc : memref<!tpu.dma_semaphore, #tpu.memory_space<semaphore_mem>>
      %dma_start3A = arith.constant 0 : i32
      %dma_start3A_21 = tpu.memref_slice %arg10[%add3A_8, %dma_start3A] : memref<10240x128xf32, #tpu.memory_space<vmem_shared>> -> memref<128x128xf32, #tpu.memory_space<vmem_shared>>
      %dma_start3A_22 = arith.constant 0 : i32
      %dma_start3A_23 = tpu.memref_slice %arg10[%add3A_8, %dma_start3A_22] : memref<10240x128xf32, #tpu.memory_space<vmem_shared>> -> memref<128x128xf32, #tpu.memory_space<vmem_shared>>
      tpu.enqueue_dma source(%arg9 : memref<128x128xf32, #tpu.memory_space<vmem>>) target(%dma_start3A_23 : memref<128x128xf32, #tpu.memory_space<vmem_shared>>) target_semaphore(%run_scoped3A : memref<!tpu.dma_semaphore, #tpu.memory_space<semaphore_mem>>)
      %dma_wait3A = arith.constant 0 : i32
      %dma_wait3A_24 = tpu.memref_slice %arg10[%add3A_8, %dma_wait3A] : memref<10240x128xf32, #tpu.memory_space<vmem_shared>> -> memref<128x128xf32, #tpu.memory_space<vmem_shared>>
      %dma_wait3A_25 = arith.constant 0 : i32
      %dma_wait3A_26 = tpu.memref_slice %arg10[%add3A_8, %dma_wait3A_25] : memref<10240x128xf32, #tpu.memory_space<vmem_shared>> -> memref<128x128xf32, #tpu.memory_space<vmem_shared>>
      tpu.wait_dma2 semaphore(%run_scoped3A : memref<!tpu.dma_semaphore, #tpu.memory_space<semaphore_mem>>) src(%arg9 : memref<128x128xf32, #tpu.memory_space<vmem>>) dst(%dma_wait3A_26 : memref<128x128xf32, #tpu.memory_space<vmem_shared>>)
      tpu.yield
    }) : () -> ()
    %add3A_9 = arith.constant 384 : i32
    %add3A_10 = arith.addi %mul3A_2, %add3A_9 : i32
    "tpu.region"() ({
      %run_scoped3A = tpu.sem_alloc : memref<!tpu.dma_semaphore, #tpu.memory_space<semaphore_mem>>
      %dma_start3A = arith.constant 0 : i32
      %dma_start3A_21 = tpu.memref_slice %arg10[%add3A_10, %dma_start3A] : memref<10240x128xf32, #tpu.memory_space<vmem_shared>> -> memref<128x128xf32, #tpu.memory_space<vmem_shared>>
      %dma_start3A_22 = arith.constant 0 : i32
      %dma_start3A_23 = tpu.memref_slice %arg10[%add3A_10, %dma_start3A_22] : memref<10240x128xf32, #tpu.memory_space<vmem_shared>> -> memref<128x128xf32, #tpu.memory_space<vmem_shared>>
      tpu.enqueue_dma source(%arg9 : memref<128x128xf32, #tpu.memory_space<vmem>>) target(%dma_start3A_23 : memref<128x128xf32, #tpu.memory_space<vmem_shared>>) target_semaphore(%run_scoped3A : memref<!tpu.dma_semaphore, #tpu.memory_space<semaphore_mem>>)
      %dma_wait3A = arith.constant 0 : i32
      %dma_wait3A_24 = tpu.memref_slice %arg10[%add3A_10, %dma_wait3A] : memref<10240x128xf32, #tpu.memory_space<vmem_shared>> -> memref<128x128xf32, #tpu.memory_space<vmem_shared>>
      %dma_wait3A_25 = arith.constant 0 : i32
      %dma_wait3A_26 = tpu.memref_slice %arg10[%add3A_10, %dma_wait3A_25] : memref<10240x128xf32, #tpu.memory_space<vmem_shared>> -> memref<128x128xf32, #tpu.memory_space<vmem_shared>>
      tpu.wait_dma2 semaphore(%run_scoped3A : memref<!tpu.dma_semaphore, #tpu.memory_space<semaphore_mem>>) src(%arg9 : memref<128x128xf32, #tpu.memory_space<vmem>>) dst(%dma_wait3A_26 : memref<128x128xf32, #tpu.memory_space<vmem_shared>>)
      tpu.yield
    }) : () -> ()
    %add3A_11 = arith.constant 512 : i32
    %add3A_12 = arith.addi %mul3A_2, %add3A_11 : i32
    "tpu.region"() ({
      %run_scoped3A = tpu.sem_alloc : memref<!tpu.dma_semaphore, #tpu.memory_space<semaphore_mem>>
      %dma_start3A = arith.constant 0 : i32
      %dma_start3A_21 = tpu.memref_slice %arg10[%add3A_12, %dma_start3A] : memref<10240x128xf32, #tpu.memory_space<vmem_shared>> -> memref<128x128xf32, #tpu.memory_space<vmem_shared>>
      %dma_start3A_22 = arith.constant 0 : i32
      %dma_start3A_23 = tpu.memref_slice %arg10[%add3A_12, %dma_start3A_22] : memref<10240x128xf32, #tpu.memory_space<vmem_shared>> -> memref<128x128xf32, #tpu.memory_space<vmem_shared>>
      tpu.enqueue_dma source(%arg9 : memref<128x128xf32, #tpu.memory_space<vmem>>) target(%dma_start3A_23 : memref<128x128xf32, #tpu.memory_space<vmem_shared>>) target_semaphore(%run_scoped3A : memref<!tpu.dma_semaphore, #tpu.memory_space<semaphore_mem>>)
      %dma_wait3A = arith.constant 0 : i32
      %dma_wait3A_24 = tpu.memref_slice %arg10[%add3A_12, %dma_wait3A] : memref<10240x128xf32, #tpu.memory_space<vmem_shared>> -> memref<128x128xf32, #tpu.memory_space<vmem_shared>>
      %dma_wait3A_25 = arith.constant 0 : i32
      %dma_wait3A_26 = tpu.memref_slice %arg10[%add3A_12, %dma_wait3A_25] : memref<10240x128xf32, #tpu.memory_space<vmem_shared>> -> memref<128x128xf32, #tpu.memory_space<vmem_shared>>
      tpu.wait_dma2 semaphore(%run_scoped3A : memref<!tpu.dma_semaphore, #tpu.memory_space<semaphore_mem>>) src(%arg9 : memref<128x128xf32, #tpu.memory_space<vmem>>) dst(%dma_wait3A_26 : memref<128x128xf32, #tpu.memory_space<vmem_shared>>)
      tpu.yield
    }) : () -> ()
    %barrier3A = arith.constant 0 : index
    tpu.barrier barrier_id(%barrier3A)
    %mul3A_13 = arith.constant 80 : i32
    %mul3A_14 = arith.muli %add3A, %mul3A_13 : i32
    "tpu.region"() ({
      %run_scoped3A = tpu.sem_alloc : memref<!tpu.dma_semaphore, #tpu.memory_space<semaphore_mem>>
      %dma_start3A = arith.constant 0 : i32
      %dma_start3A_21 = tpu.memref_slice %arg3[%mul3A_14, %dma_start3A] : memref<2560x128xi32, #tpu.memory_space<hbm>> -> memref<80x128xi32, #tpu.memory_space<hbm>>
      %dma_start3A_22 = arith.constant 0 : i32
      %dma_start3A_23 = tpu.memref_slice %arg3[%mul3A_14, %dma_start3A_22] : memref<2560x128xi32, #tpu.memory_space<hbm>> -> memref<80x128xi32, #tpu.memory_space<hbm>>
      tpu.enqueue_dma source(%dma_start3A_23 : memref<80x128xi32, #tpu.memory_space<hbm>>) target(%arg7 : memref<80x128xi32, #tpu.memory_space<vmem>>) target_semaphore(%run_scoped3A : memref<!tpu.dma_semaphore, #tpu.memory_space<semaphore_mem>>)
      %dma_wait3A = arith.constant 0 : i32
      %dma_wait3A_24 = tpu.memref_slice %arg3[%mul3A_14, %dma_wait3A] : memref<2560x128xi32, #tpu.memory_space<hbm>> -> memref<80x128xi32, #tpu.memory_space<hbm>>
      %dma_wait3A_25 = arith.constant 0 : i32
      %dma_wait3A_26 = tpu.memref_slice %arg3[%mul3A_14, %dma_wait3A_25] : memref<2560x128xi32, #tpu.memory_space<hbm>> -> memref<80x128xi32, #tpu.memory_space<hbm>>
      tpu.wait_dma2 semaphore(%run_scoped3A : memref<!tpu.dma_semaphore, #tpu.memory_space<semaphore_mem>>) src(%dma_wait3A_26 : memref<80x128xi32, #tpu.memory_space<hbm>>) dst(%arg7 : memref<80x128xi32, #tpu.memory_space<vmem>>)
      tpu.yield
    }) : () -> ()
    "tpu.region"() ({
      %run_scoped3A = tpu.sem_alloc : memref<!tpu.dma_semaphore, #tpu.memory_space<semaphore_mem>>
      %dma_start3A = arith.constant 0 : i32
      %dma_start3A_21 = tpu.memref_slice %arg4[%mul3A_14, %dma_start3A] : memref<2560x128xi32, #tpu.memory_space<hbm>> -> memref<80x128xi32, #tpu.memory_space<hbm>>
      %dma_start3A_22 = arith.constant 0 : i32
      %dma_start3A_23 = tpu.memref_slice %arg4[%mul3A_14, %dma_start3A_22] : memref<2560x128xi32, #tpu.memory_space<hbm>> -> memref<80x128xi32, #tpu.memory_space<hbm>>
      tpu.enqueue_dma source(%dma_start3A_23 : memref<80x128xi32, #tpu.memory_space<hbm>>) target(%arg8 : memref<80x128xi32, #tpu.memory_space<vmem>>) target_semaphore(%run_scoped3A : memref<!tpu.dma_semaphore, #tpu.memory_space<semaphore_mem>>)
      %dma_wait3A = arith.constant 0 : i32
      %dma_wait3A_24 = tpu.memref_slice %arg4[%mul3A_14, %dma_wait3A] : memref<2560x128xi32, #tpu.memory_space<hbm>> -> memref<80x128xi32, #tpu.memory_space<hbm>>
      %dma_wait3A_25 = arith.constant 0 : i32
      %dma_wait3A_26 = tpu.memref_slice %arg4[%mul3A_14, %dma_wait3A_25] : memref<2560x128xi32, #tpu.memory_space<hbm>> -> memref<80x128xi32, #tpu.memory_space<hbm>>
      tpu.wait_dma2 semaphore(%run_scoped3A : memref<!tpu.dma_semaphore, #tpu.memory_space<semaphore_mem>>) src(%dma_wait3A_26 : memref<80x128xi32, #tpu.memory_space<hbm>>) dst(%arg8 : memref<80x128xi32, #tpu.memory_space<vmem>>)
      tpu.yield
    }) : () -> ()
    %scan3A = arith.constant 0 : i32
    %scan3A_15 = arith.constant 0 : i32
    %scan3A_16 = arith.constant 80 : i32
    %scan3A_17 = arith.addi %scan3A_15, %scan3A_16 : i32
    %scan3A_18 = arith.constant 1 : i32
    scf.for %scan3A_21 = %scan3A_15 to %scan3A_17 step %scan3A_18  : i32 {
      %dma_start3A = arith.constant 0 : i32
      %dma_start3A_22 = tpu.memref_slice %arg7[%scan3A_21, %dma_start3A] : memref<80x128xi32, #tpu.memory_space<vmem>> -> memref<1x128xi32, #tpu.memory_space<vmem>>
      %dma_start3A_23 = tpu.memref_squeeze %dma_start3A_22 : memref<1x128xi32, #tpu.memory_space<vmem>> -> memref<128xi32, #tpu.memory_space<vmem>>
      %dma_start3A_24 = arith.constant 0 : i32
      %dma_start3A_25 = arith.constant 0 : i32
      %dma_start3A_26 = tpu.memref_slice %arg2[%dma_start3A_24, %dma_start3A_25] : memref<10000x128xf32, #tpu.memory_space<hbm>> -> memref<10000x128xf32, #tpu.memory_space<hbm>>
      tpu.enqueue_indirect_dma source(%dma_start3A_26 : memref<10000x128xf32, #tpu.memory_space<hbm>>) target(%arg9 : memref<128x128xf32, #tpu.memory_space<vmem>>) offsets(%dma_start3A_23 : memref<128xi32, #tpu.memory_space<vmem>>) semaphore(%arg11 : memref<!tpu.dma_semaphore, #tpu.memory_space<semaphore_mem>>)
      %dma_wait3A = arith.constant 0 : i32
      %dma_wait3A_27 = tpu.memref_slice %arg7[%scan3A_21, %dma_wait3A] : memref<80x128xi32, #tpu.memory_space<vmem>> -> memref<1x128xi32, #tpu.memory_space<vmem>>
      %dma_wait3A_28 = tpu.memref_squeeze %dma_wait3A_27 : memref<1x128xi32, #tpu.memory_space<vmem>> -> memref<128xi32, #tpu.memory_space<vmem>>
      %dma_wait3A_29 = arith.constant 0 : i32
      %dma_wait3A_30 = arith.constant 0 : i32
      %dma_wait3A_31 = tpu.memref_slice %arg2[%dma_wait3A_29, %dma_wait3A_30] : memref<10000x128xf32, #tpu.memory_space<hbm>> -> memref<10000x128xf32, #tpu.memory_space<hbm>>
      tpu.wait_indirect_dma semaphore(%arg11 : memref<!tpu.dma_semaphore, #tpu.memory_space<semaphore_mem>>) src(%dma_wait3A_31 : memref<10000x128xf32, #tpu.memory_space<hbm>>) dst(%arg9 : memref<128x128xf32, #tpu.memory_space<vmem>>)
      "tpu.region"() ({
        %run_scoped3A = tpu.sem_alloc : memref<!tpu.dma_semaphore, #tpu.memory_space<semaphore_mem>>
        %dma_start3A_32 = arith.constant 0 : i32
        %dma_start3A_33 = tpu.memref_slice %arg8[%scan3A_21, %dma_start3A_32] : memref<80x128xi32, #tpu.memory_space<vmem>> -> memref<1x128xi32, #tpu.memory_space<vmem>>
        %dma_start3A_34 = tpu.memref_squeeze %dma_start3A_33 : memref<1x128xi32, #tpu.memory_space<vmem>> -> memref<128xi32, #tpu.memory_space<vmem>>
        %dma_start3A_35 = arith.constant 0 : i32
        %dma_start3A_36 = arith.constant 0 : i32
        %dma_start3A_37 = tpu.memref_slice %arg10[%dma_start3A_35, %dma_start3A_36] : memref<10240x128xf32, #tpu.memory_space<vmem_shared>> -> memref<10240x128xf32, #tpu.memory_space<vmem_shared>>
        tpu.enqueue_indirect_dma source(%arg9 : memref<128x128xf32, #tpu.memory_space<vmem>>) target(%dma_start3A_37 : memref<10240x128xf32, #tpu.memory_space<vmem_shared>>) offsets(%dma_start3A_34 : memref<128xi32, #tpu.memory_space<vmem>>) semaphore(%run_scoped3A : memref<!tpu.dma_semaphore, #tpu.memory_space<semaphore_mem>>) {add = true}
        %dma_wait3A_38 = arith.constant 0 : i32
        %dma_wait3A_39 = tpu.memref_slice %arg8[%scan3A_21, %dma_wait3A_38] : memref<80x128xi32, #tpu.memory_space<vmem>> -> memref<1x128xi32, #tpu.memory_space<vmem>>
        %dma_wait3A_40 = tpu.memref_squeeze %dma_wait3A_39 : memref<1x128xi32, #tpu.memory_space<vmem>> -> memref<128xi32, #tpu.memory_space<vmem>>
        %dma_wait3A_41 = arith.constant 0 : i32
        %dma_wait3A_42 = arith.constant 0 : i32
        %dma_wait3A_43 = tpu.memref_slice %arg10[%dma_wait3A_41, %dma_wait3A_42] : memref<10240x128xf32, #tpu.memory_space<vmem_shared>> -> memref<10240x128xf32, #tpu.memory_space<vmem_shared>>
        tpu.wait_indirect_dma semaphore(%run_scoped3A : memref<!tpu.dma_semaphore, #tpu.memory_space<semaphore_mem>>) src(%arg9 : memref<128x128xf32, #tpu.memory_space<vmem>>) dst(%dma_wait3A_43 : memref<10240x128xf32, #tpu.memory_space<vmem_shared>>)
        tpu.yield
      }) : () -> ()
    }
    %scan3A_19 = arith.constant 80 : i32
    %barrier3A_20 = arith.constant 0 : index
    tpu.barrier barrier_id(%barrier3A_20)
    "tpu.region"() ({
      %run_scoped3A = tpu.sem_alloc : memref<!tpu.dma_semaphore, #tpu.memory_space<semaphore_mem>>
      %dma_start3A = arith.constant 0 : i32
      %dma_start3A_21 = tpu.memref_slice %arg6[%arg0, %mul3A_2, %dma_start3A] : memref<2x10240x128xf32, #tpu.memory_space<hbm>> -> memref<1x640x128xf32, #tpu.memory_space<hbm>>
      %dma_start3A_22 = tpu.memref_squeeze %dma_start3A_21 : memref<1x640x128xf32, #tpu.memory_space<hbm>> -> memref<640x128xf32, #tpu.memory_space<hbm>>
      %dma_start3A_23 = arith.constant 0 : i32
      %dma_start3A_24 = tpu.memref_slice %arg10[%mul3A_2, %dma_start3A_23] : memref<10240x128xf32, #tpu.memory_space<vmem_shared>> -> memref<640x128xf32, #tpu.memory_space<vmem_shared>>
      tpu.enqueue_dma source(%dma_start3A_24 : memref<640x128xf32, #tpu.memory_space<vmem_shared>>) target(%dma_start3A_22 : memref<640x128xf32, #tpu.memory_space<hbm>>) target_semaphore(%run_scoped3A : memref<!tpu.dma_semaphore, #tpu.memory_space<semaphore_mem>>)
      %dma_wait3A = arith.constant 0 : i32
      %dma_wait3A_25 = tpu.memref_slice %arg6[%arg0, %mul3A_2, %dma_wait3A] : memref<2x10240x128xf32, #tpu.memory_space<hbm>> -> memref<1x640x128xf32, #tpu.memory_space<hbm>>
      %dma_wait3A_26 = tpu.memref_squeeze %dma_wait3A_25 : memref<1x640x128xf32, #tpu.memory_space<hbm>> -> memref<640x128xf32, #tpu.memory_space<hbm>>
      %dma_wait3A_27 = arith.constant 0 : i32
      %dma_wait3A_28 = tpu.memref_slice %arg10[%mul3A_2, %dma_wait3A_27] : memref<10240x128xf32, #tpu.memory_space<vmem_shared>> -> memref<640x128xf32, #tpu.memory_space<vmem_shared>>
      tpu.wait_dma2 semaphore(%run_scoped3A : memref<!tpu.dma_semaphore, #tpu.memory_space<semaphore_mem>>) src(%dma_wait3A_28 : memref<640x128xf32, #tpu.memory_space<vmem_shared>>) dst(%dma_wait3A_26 : memref<640x128xf32, #tpu.memory_space<hbm>>)
      tpu.yield
    }) : () -> ()
    return
  }
}

#map = affine_map<(d0, d1) -> (0, 0)>
#map1 = affine_map<(d0, d1) -> (0, 0, 0)>
module attributes {stable_mosaic.version = 14 : i64} {
  func.func @agg_kernel(%arg0: i32, %arg1: i32, %arg2: memref<10000x128xf32, #tpu.memory_space<hbm>>, %arg3: memref<2560x128xi32, #tpu.memory_space<hbm>>, %arg4: memref<2560x128xi32, #tpu.memory_space<hbm>>, %arg5: memref<128x128xf32, #tpu.memory_space<hbm>>, %arg6: memref<2x10240x128xf32, #tpu.memory_space<hbm>>, %arg7: memref<80x128xi32, #tpu.memory_space<vmem>>, %arg8: memref<80x128xi32, #tpu.memory_space<vmem>>, %arg9: memref<128x128xf32, #tpu.memory_space<vmem>>, %arg10: memref<10240x128xf32, #tpu.memory_space<vmem_shared>>, %arg11: memref<!tpu.dma_semaphore, #tpu.memory_space<semaphore_mem>>) attributes {dimension_semantics = [#tpu.dimension_semantics<core_parallel>, #tpu.dimension_semantics<subcore_parallel>], iteration_bounds = array<i64: 2, 16>, scalar_prefetch = 0 : i64, scratch_operands = 5 : i64, tpu.core_type = #tpu.core_type<sc_vector_subcore>, window_params = [{transform_indices = #map}, {transform_indices = #map}, {transform_indices = #map}, {transform_indices = #map}, {transform_indices = #map1}]} {
    %mul3A = arith.constant 16 : i32
    %mul3A_0 = arith.muli %arg0, %mul3A : i32
    %add3A = arith.addi %mul3A_0, %arg1 : i32
    "tpu.region"() ({
      %run_scoped3A = tpu.sem_alloc : memref<!tpu.dma_semaphore, #tpu.memory_space<semaphore_mem>>
      tpu.enqueue_dma source(%arg5 : memref<128x128xf32, #tpu.memory_space<hbm>>) target(%arg9 : memref<128x128xf32, #tpu.memory_space<vmem>>) target_semaphore(%run_scoped3A : memref<!tpu.dma_semaphore, #tpu.memory_space<semaphore_mem>>)
      tpu.wait_dma2 semaphore(%run_scoped3A : memref<!tpu.dma_semaphore, #tpu.memory_space<semaphore_mem>>) src(%arg5 : memref<128x128xf32, #tpu.memory_space<hbm>>) dst(%arg9 : memref<128x128xf32, #tpu.memory_space<vmem>>)
      tpu.yield
    }) : () -> ()
    %mul3A_1 = arith.constant 640 : i32
    %mul3A_2 = arith.muli %arg1, %mul3A_1 : i32
    %add3A_3 = arith.constant 0 : i32
    %add3A_4 = arith.addi %mul3A_2, %add3A_3 : i32
    "tpu.region"() ({
      %run_scoped3A = tpu.sem_alloc : memref<!tpu.dma_semaphore, #tpu.memory_space<semaphore_mem>>
      %dma_start3A = arith.constant 0 : i32
      %dma_start3A_21 = tpu.memref_slice %arg10[%add3A_4, %dma_start3A] : memref<10240x128xf32, #tpu.memory_space<vmem_shared>> -> memref<128x128xf32, #tpu.memory_space<vmem_shared>>
      %dma_start3A_22 = arith.constant 0 : i32
      %dma_start3A_23 = tpu.memref_slice %arg10[%add3A_4, %dma_start3A_22] : memref<10240x128xf32, #tpu.memory_space<vmem_shared>> -> memref<128x128xf32, #tpu.memory_space<vmem_shared>>
      tpu.enqueue_dma source(%arg9 : memref<128x128xf32, #tpu.memory_space<vmem>>) target(%dma_start3A_23 : memref<128x128xf32, #tpu.memory_space<vmem_shared>>) target_semaphore(%run_scoped3A : memref<!tpu.dma_semaphore, #tpu.memory_space<semaphore_mem>>)
      %dma_wait3A = arith.constant 0 : i32
      %dma_wait3A_24 = tpu.memref_slice %arg10[%add3A_4, %dma_wait3A] : memref<10240x128xf32, #tpu.memory_space<vmem_shared>> -> memref<128x128xf32, #tpu.memory_space<vmem_shared>>
      %dma_wait3A_25 = arith.constant 0 : i32
      %dma_wait3A_26 = tpu.memref_slice %arg10[%add3A_4, %dma_wait3A_25] : memref<10240x128xf32, #tpu.memory_space<vmem_shared>> -> memref<128x128xf32, #tpu.memory_space<vmem_shared>>
      tpu.wait_dma2 semaphore(%run_scoped3A : memref<!tpu.dma_semaphore, #tpu.memory_space<semaphore_mem>>) src(%arg9 : memref<128x128xf32, #tpu.memory_space<vmem>>) dst(%dma_wait3A_26 : memref<128x128xf32, #tpu.memory_space<vmem_shared>>)
      tpu.yield
    }) : () -> ()
    %add3A_5 = arith.constant 128 : i32
    %add3A_6 = arith.addi %mul3A_2, %add3A_5 : i32
    "tpu.region"() ({
      %run_scoped3A = tpu.sem_alloc : memref<!tpu.dma_semaphore, #tpu.memory_space<semaphore_mem>>
      %dma_start3A = arith.constant 0 : i32
      %dma_start3A_21 = tpu.memref_slice %arg10[%add3A_6, %dma_start3A] : memref<10240x128xf32, #tpu.memory_space<vmem_shared>> -> memref<128x128xf32, #tpu.memory_space<vmem_shared>>
      %dma_start3A_22 = arith.constant 0 : i32
      %dma_start3A_23 = tpu.memref_slice %arg10[%add3A_6, %dma_start3A_22] : memref<10240x128xf32, #tpu.memory_space<vmem_shared>> -> memref<128x128xf32, #tpu.memory_space<vmem_shared>>
      tpu.enqueue_dma source(%arg9 : memref<128x128xf32, #tpu.memory_space<vmem>>) target(%dma_start3A_23 : memref<128x128xf32, #tpu.memory_space<vmem_shared>>) target_semaphore(%run_scoped3A : memref<!tpu.dma_semaphore, #tpu.memory_space<semaphore_mem>>)
      %dma_wait3A = arith.constant 0 : i32
      %dma_wait3A_24 = tpu.memref_slice %arg10[%add3A_6, %dma_wait3A] : memref<10240x128xf32, #tpu.memory_space<vmem_shared>> -> memref<128x128xf32, #tpu.memory_space<vmem_shared>>
      %dma_wait3A_25 = arith.constant 0 : i32
      %dma_wait3A_26 = tpu.memref_slice %arg10[%add3A_6, %dma_wait3A_25] : memref<10240x128xf32, #tpu.memory_space<vmem_shared>> -> memref<128x128xf32, #tpu.memory_space<vmem_shared>>
      tpu.wait_dma2 semaphore(%run_scoped3A : memref<!tpu.dma_semaphore, #tpu.memory_space<semaphore_mem>>) src(%arg9 : memref<128x128xf32, #tpu.memory_space<vmem>>) dst(%dma_wait3A_26 : memref<128x128xf32, #tpu.memory_space<vmem_shared>>)
      tpu.yield
    }) : () -> ()
    %add3A_7 = arith.constant 256 : i32
    %add3A_8 = arith.addi %mul3A_2, %add3A_7 : i32
    "tpu.region"() ({
      %run_scoped3A = tpu.sem_alloc : memref<!tpu.dma_semaphore, #tpu.memory_space<semaphore_mem>>
      %dma_start3A = arith.constant 0 : i32
      %dma_start3A_21 = tpu.memref_slice %arg10[%add3A_8, %dma_start3A] : memref<10240x128xf32, #tpu.memory_space<vmem_shared>> -> memref<128x128xf32, #tpu.memory_space<vmem_shared>>
      %dma_start3A_22 = arith.constant 0 : i32
      %dma_start3A_23 = tpu.memref_slice %arg10[%add3A_8, %dma_start3A_22] : memref<10240x128xf32, #tpu.memory_space<vmem_shared>> -> memref<128x128xf32, #tpu.memory_space<vmem_shared>>
      tpu.enqueue_dma source(%arg9 : memref<128x128xf32, #tpu.memory_space<vmem>>) target(%dma_start3A_23 : memref<128x128xf32, #tpu.memory_space<vmem_shared>>) target_semaphore(%run_scoped3A : memref<!tpu.dma_semaphore, #tpu.memory_space<semaphore_mem>>)
      %dma_wait3A = arith.constant 0 : i32
      %dma_wait3A_24 = tpu.memref_slice %arg10[%add3A_8, %dma_wait3A] : memref<10240x128xf32, #tpu.memory_space<vmem_shared>> -> memref<128x128xf32, #tpu.memory_space<vmem_shared>>
      %dma_wait3A_25 = arith.constant 0 : i32
      %dma_wait3A_26 = tpu.memref_slice %arg10[%add3A_8, %dma_wait3A_25] : memref<10240x128xf32, #tpu.memory_space<vmem_shared>> -> memref<128x128xf32, #tpu.memory_space<vmem_shared>>
      tpu.wait_dma2 semaphore(%run_scoped3A : memref<!tpu.dma_semaphore, #tpu.memory_space<semaphore_mem>>) src(%arg9 : memref<128x128xf32, #tpu.memory_space<vmem>>) dst(%dma_wait3A_26 : memref<128x128xf32, #tpu.memory_space<vmem_shared>>)
      tpu.yield
    }) : () -> ()
    %add3A_9 = arith.constant 384 : i32
    %add3A_10 = arith.addi %mul3A_2, %add3A_9 : i32
    "tpu.region"() ({
      %run_scoped3A = tpu.sem_alloc : memref<!tpu.dma_semaphore, #tpu.memory_space<semaphore_mem>>
      %dma_start3A = arith.constant 0 : i32
      %dma_start3A_21 = tpu.memref_slice %arg10[%add3A_10, %dma_start3A] : memref<10240x128xf32, #tpu.memory_space<vmem_shared>> -> memref<128x128xf32, #tpu.memory_space<vmem_shared>>
      %dma_start3A_22 = arith.constant 0 : i32
      %dma_start3A_23 = tpu.memref_slice %arg10[%add3A_10, %dma_start3A_22] : memref<10240x128xf32, #tpu.memory_space<vmem_shared>> -> memref<128x128xf32, #tpu.memory_space<vmem_shared>>
      tpu.enqueue_dma source(%arg9 : memref<128x128xf32, #tpu.memory_space<vmem>>) target(%dma_start3A_23 : memref<128x128xf32, #tpu.memory_space<vmem_shared>>) target_semaphore(%run_scoped3A : memref<!tpu.dma_semaphore, #tpu.memory_space<semaphore_mem>>)
      %dma_wait3A = arith.constant 0 : i32
      %dma_wait3A_24 = tpu.memref_slice %arg10[%add3A_10, %dma_wait3A] : memref<10240x128xf32, #tpu.memory_space<vmem_shared>> -> memref<128x128xf32, #tpu.memory_space<vmem_shared>>
      %dma_wait3A_25 = arith.constant 0 : i32
      %dma_wait3A_26 = tpu.memref_slice %arg10[%add3A_10, %dma_wait3A_25] : memref<10240x128xf32, #tpu.memory_space<vmem_shared>> -> memref<128x128xf32, #tpu.memory_space<vmem_shared>>
      tpu.wait_dma2 semaphore(%run_scoped3A : memref<!tpu.dma_semaphore, #tpu.memory_space<semaphore_mem>>) src(%arg9 : memref<128x128xf32, #tpu.memory_space<vmem>>) dst(%dma_wait3A_26 : memref<128x128xf32, #tpu.memory_space<vmem_shared>>)
      tpu.yield
    }) : () -> ()
    %add3A_11 = arith.constant 512 : i32
    %add3A_12 = arith.addi %mul3A_2, %add3A_11 : i32
    "tpu.region"() ({
      %run_scoped3A = tpu.sem_alloc : memref<!tpu.dma_semaphore, #tpu.memory_space<semaphore_mem>>
      %dma_start3A = arith.constant 0 : i32
      %dma_start3A_21 = tpu.memref_slice %arg10[%add3A_12, %dma_start3A] : memref<10240x128xf32, #tpu.memory_space<vmem_shared>> -> memref<128x128xf32, #tpu.memory_space<vmem_shared>>
      %dma_start3A_22 = arith.constant 0 : i32
      %dma_start3A_23 = tpu.memref_slice %arg10[%add3A_12, %dma_start3A_22] : memref<10240x128xf32, #tpu.memory_space<vmem_shared>> -> memref<128x128xf32, #tpu.memory_space<vmem_shared>>
      tpu.enqueue_dma source(%arg9 : memref<128x128xf32, #tpu.memory_space<vmem>>) target(%dma_start3A_23 : memref<128x128xf32, #tpu.memory_space<vmem_shared>>) target_semaphore(%run_scoped3A : memref<!tpu.dma_semaphore, #tpu.memory_space<semaphore_mem>>)
      %dma_wait3A = arith.constant 0 : i32
      %dma_wait3A_24 = tpu.memref_slice %arg10[%add3A_12, %dma_wait3A] : memref<10240x128xf32, #tpu.memory_space<vmem_shared>> -> memref<128x128xf32, #tpu.memory_space<vmem_shared>>
      %dma_wait3A_25 = arith.constant 0 : i32
      %dma_wait3A_26 = tpu.memref_slice %arg10[%add3A_12, %dma_wait3A_25] : memref<10240x128xf32, #tpu.memory_space<vmem_shared>> -> memref<128x128xf32, #tpu.memory_space<vmem_shared>>
      tpu.wait_dma2 semaphore(%run_scoped3A : memref<!tpu.dma_semaphore, #tpu.memory_space<semaphore_mem>>) src(%arg9 : memref<128x128xf32, #tpu.memory_space<vmem>>) dst(%dma_wait3A_26 : memref<128x128xf32, #tpu.memory_space<vmem_shared>>)
      tpu.yield
    }) : () -> ()
    %barrier3A = arith.constant 0 : index
    tpu.barrier barrier_id(%barrier3A)
    %mul3A_13 = arith.constant 80 : i32
    %mul3A_14 = arith.muli %add3A, %mul3A_13 : i32
    "tpu.region"() ({
      %run_scoped3A = tpu.sem_alloc : memref<!tpu.dma_semaphore, #tpu.memory_space<semaphore_mem>>
      %dma_start3A = arith.constant 0 : i32
      %dma_start3A_21 = tpu.memref_slice %arg3[%mul3A_14, %dma_start3A] : memref<2560x128xi32, #tpu.memory_space<hbm>> -> memref<80x128xi32, #tpu.memory_space<hbm>>
      %dma_start3A_22 = arith.constant 0 : i32
      %dma_start3A_23 = tpu.memref_slice %arg3[%mul3A_14, %dma_start3A_22] : memref<2560x128xi32, #tpu.memory_space<hbm>> -> memref<80x128xi32, #tpu.memory_space<hbm>>
      tpu.enqueue_dma source(%dma_start3A_23 : memref<80x128xi32, #tpu.memory_space<hbm>>) target(%arg7 : memref<80x128xi32, #tpu.memory_space<vmem>>) target_semaphore(%run_scoped3A : memref<!tpu.dma_semaphore, #tpu.memory_space<semaphore_mem>>)
      %dma_wait3A = arith.constant 0 : i32
      %dma_wait3A_24 = tpu.memref_slice %arg3[%mul3A_14, %dma_wait3A] : memref<2560x128xi32, #tpu.memory_space<hbm>> -> memref<80x128xi32, #tpu.memory_space<hbm>>
      %dma_wait3A_25 = arith.constant 0 : i32
      %dma_wait3A_26 = tpu.memref_slice %arg3[%mul3A_14, %dma_wait3A_25] : memref<2560x128xi32, #tpu.memory_space<hbm>> -> memref<80x128xi32, #tpu.memory_space<hbm>>
      tpu.wait_dma2 semaphore(%run_scoped3A : memref<!tpu.dma_semaphore, #tpu.memory_space<semaphore_mem>>) src(%dma_wait3A_26 : memref<80x128xi32, #tpu.memory_space<hbm>>) dst(%arg7 : memref<80x128xi32, #tpu.memory_space<vmem>>)
      tpu.yield
    }) : () -> ()
    "tpu.region"() ({
      %run_scoped3A = tpu.sem_alloc : memref<!tpu.dma_semaphore, #tpu.memory_space<semaphore_mem>>
      %dma_start3A = arith.constant 0 : i32
      %dma_start3A_21 = tpu.memref_slice %arg4[%mul3A_14, %dma_start3A] : memref<2560x128xi32, #tpu.memory_space<hbm>> -> memref<80x128xi32, #tpu.memory_space<hbm>>
      %dma_start3A_22 = arith.constant 0 : i32
      %dma_start3A_23 = tpu.memref_slice %arg4[%mul3A_14, %dma_start3A_22] : memref<2560x128xi32, #tpu.memory_space<hbm>> -> memref<80x128xi32, #tpu.memory_space<hbm>>
      tpu.enqueue_dma source(%dma_start3A_23 : memref<80x128xi32, #tpu.memory_space<hbm>>) target(%arg8 : memref<80x128xi32, #tpu.memory_space<vmem>>) target_semaphore(%run_scoped3A : memref<!tpu.dma_semaphore, #tpu.memory_space<semaphore_mem>>)
      %dma_wait3A = arith.constant 0 : i32
      %dma_wait3A_24 = tpu.memref_slice %arg4[%mul3A_14, %dma_wait3A] : memref<2560x128xi32, #tpu.memory_space<hbm>> -> memref<80x128xi32, #tpu.memory_space<hbm>>
      %dma_wait3A_25 = arith.constant 0 : i32
      %dma_wait3A_26 = tpu.memref_slice %arg4[%mul3A_14, %dma_wait3A_25] : memref<2560x128xi32, #tpu.memory_space<hbm>> -> memref<80x128xi32, #tpu.memory_space<hbm>>
      tpu.wait_dma2 semaphore(%run_scoped3A : memref<!tpu.dma_semaphore, #tpu.memory_space<semaphore_mem>>) src(%dma_wait3A_26 : memref<80x128xi32, #tpu.memory_space<hbm>>) dst(%arg8 : memref<80x128xi32, #tpu.memory_space<vmem>>)
      tpu.yield
    }) : () -> ()
    %scan3A = arith.constant 0 : i32
    %scan3A_15 = arith.constant 0 : i32
    %scan3A_16 = arith.constant 80 : i32
    %scan3A_17 = arith.addi %scan3A_15, %scan3A_16 : i32
    %scan3A_18 = arith.constant 1 : i32
    scf.for %scan3A_21 = %scan3A_15 to %scan3A_17 step %scan3A_18  : i32 {
      %dma_start3A = arith.constant 0 : i32
      %dma_start3A_22 = tpu.memref_slice %arg7[%scan3A_21, %dma_start3A] : memref<80x128xi32, #tpu.memory_space<vmem>> -> memref<1x128xi32, #tpu.memory_space<vmem>>
      %dma_start3A_23 = tpu.memref_squeeze %dma_start3A_22 : memref<1x128xi32, #tpu.memory_space<vmem>> -> memref<128xi32, #tpu.memory_space<vmem>>
      %dma_start3A_24 = arith.constant 0 : i32
      %dma_start3A_25 = arith.constant 0 : i32
      %dma_start3A_26 = tpu.memref_slice %arg2[%dma_start3A_24, %dma_start3A_25] : memref<10000x128xf32, #tpu.memory_space<hbm>> -> memref<10000x128xf32, #tpu.memory_space<hbm>>
      tpu.enqueue_indirect_dma source(%dma_start3A_26 : memref<10000x128xf32, #tpu.memory_space<hbm>>) target(%arg9 : memref<128x128xf32, #tpu.memory_space<vmem>>) offsets(%dma_start3A_23 : memref<128xi32, #tpu.memory_space<vmem>>) semaphore(%arg11 : memref<!tpu.dma_semaphore, #tpu.memory_space<semaphore_mem>>)
      %dma_wait3A = arith.constant 0 : i32
      %dma_wait3A_27 = tpu.memref_slice %arg7[%scan3A_21, %dma_wait3A] : memref<80x128xi32, #tpu.memory_space<vmem>> -> memref<1x128xi32, #tpu.memory_space<vmem>>
      %dma_wait3A_28 = tpu.memref_squeeze %dma_wait3A_27 : memref<1x128xi32, #tpu.memory_space<vmem>> -> memref<128xi32, #tpu.memory_space<vmem>>
      %dma_wait3A_29 = arith.constant 0 : i32
      %dma_wait3A_30 = arith.constant 0 : i32
      %dma_wait3A_31 = tpu.memref_slice %arg2[%dma_wait3A_29, %dma_wait3A_30] : memref<10000x128xf32, #tpu.memory_space<hbm>> -> memref<10000x128xf32, #tpu.memory_space<hbm>>
      tpu.wait_indirect_dma semaphore(%arg11 : memref<!tpu.dma_semaphore, #tpu.memory_space<semaphore_mem>>) src(%dma_wait3A_31 : memref<10000x128xf32, #tpu.memory_space<hbm>>) dst(%arg9 : memref<128x128xf32, #tpu.memory_space<vmem>>)
      "tpu.region"() ({
        %run_scoped3A = tpu.sem_alloc : memref<!tpu.dma_semaphore, #tpu.memory_space<semaphore_mem>>
        %dma_start3A_32 = arith.constant 0 : i32
        %dma_start3A_33 = tpu.memref_slice %arg8[%scan3A_21, %dma_start3A_32] : memref<80x128xi32, #tpu.memory_space<vmem>> -> memref<1x128xi32, #tpu.memory_space<vmem>>
        %dma_start3A_34 = tpu.memref_squeeze %dma_start3A_33 : memref<1x128xi32, #tpu.memory_space<vmem>> -> memref<128xi32, #tpu.memory_space<vmem>>
        %dma_start3A_35 = arith.constant 0 : i32
        %dma_start3A_36 = arith.constant 0 : i32
        %dma_start3A_37 = tpu.memref_slice %arg10[%dma_start3A_35, %dma_start3A_36] : memref<10240x128xf32, #tpu.memory_space<vmem_shared>> -> memref<10240x128xf32, #tpu.memory_space<vmem_shared>>
        tpu.enqueue_indirect_dma source(%arg9 : memref<128x128xf32, #tpu.memory_space<vmem>>) target(%dma_start3A_37 : memref<10240x128xf32, #tpu.memory_space<vmem_shared>>) offsets(%dma_start3A_34 : memref<128xi32, #tpu.memory_space<vmem>>) semaphore(%run_scoped3A : memref<!tpu.dma_semaphore, #tpu.memory_space<semaphore_mem>>) {add = true}
        %dma_wait3A_38 = arith.constant 0 : i32
        %dma_wait3A_39 = tpu.memref_slice %arg8[%scan3A_21, %dma_wait3A_38] : memref<80x128xi32, #tpu.memory_space<vmem>> -> memref<1x128xi32, #tpu.memory_space<vmem>>
        %dma_wait3A_40 = tpu.memref_squeeze %dma_wait3A_39 : memref<1x128xi32, #tpu.memory_space<vmem>> -> memref<128xi32, #tpu.memory_space<vmem>>
        %dma_wait3A_41 = arith.constant 0 : i32
        %dma_wait3A_42 = arith.constant 0 : i32
        %dma_wait3A_43 = tpu.memref_slice %arg10[%dma_wait3A_41, %dma_wait3A_42] : memref<10240x128xf32, #tpu.memory_space<vmem_shared>> -> memref<10240x128xf32, #tpu.memory_space<vmem_shared>>
        tpu.wait_indirect_dma semaphore(%run_scoped3A : memref<!tpu.dma_semaphore, #tpu.memory_space<semaphore_mem>>) src(%arg9 : memref<128x128xf32, #tpu.memory_space<vmem>>) dst(%dma_wait3A_43 : memref<10240x128xf32, #tpu.memory_space<vmem_shared>>)
        tpu.yield
      }) : () -> ()
    }
    %scan3A_19 = arith.constant 80 : i32
    %barrier3A_20 = arith.constant 0 : index
    tpu.barrier barrier_id(%barrier3A_20)
    "tpu.region"() ({
      %run_scoped3A = tpu.sem_alloc : memref<!tpu.dma_semaphore, #tpu.memory_space<semaphore_mem>>
      %dma_start3A = arith.constant 0 : i32
      %dma_start3A_21 = tpu.memref_slice %arg6[%arg0, %mul3A_2, %dma_start3A] : memref<2x10240x128xf32, #tpu.memory_space<hbm>> -> memref<1x640x128xf32, #tpu.memory_space<hbm>>
      %dma_start3A_22 = tpu.memref_squeeze %dma_start3A_21 : memref<1x640x128xf32, #tpu.memory_space<hbm>> -> memref<640x128xf32, #tpu.memory_space<hbm>>
      %dma_start3A_23 = arith.constant 0 : i32
      %dma_start3A_24 = tpu.memref_slice %arg10[%mul3A_2, %dma_start3A_23] : memref<10240x128xf32, #tpu.memory_space<vmem_shared>> -> memref<640x128xf32, #tpu.memory_space<vmem_shared>>
      tpu.enqueue_dma source(%dma_start3A_24 : memref<640x128xf32, #tpu.memory_space<vmem_shared>>) target(%dma_start3A_22 : memref<640x128xf32, #tpu.memory_space<hbm>>) target_semaphore(%run_scoped3A : memref<!tpu.dma_semaphore, #tpu.memory_space<semaphore_mem>>)
      %dma_wait3A = arith.constant 0 : i32
      %dma_wait3A_25 = tpu.memref_slice %arg6[%arg0, %mul3A_2, %dma_wait3A] : memref<2x10240x128xf32, #tpu.memory_space<hbm>> -> memref<1x640x128xf32, #tpu.memory_space<hbm>>
      %dma_wait3A_26 = tpu.memref_squeeze %dma_wait3A_25 : memref<1x640x128xf32, #tpu.memory_space<hbm>> -> memref<640x128xf32, #tpu.memory_space<hbm>>
      %dma_wait3A_27 = arith.constant 0 : i32
      %dma_wait3A_28 = tpu.memref_slice %arg10[%mul3A_2, %dma_wait3A_27] : memref<10240x128xf32, #tpu.memory_space<vmem_shared>> -> memref<640x128xf32, #tpu.memory_space<vmem_shared>>
      tpu.wait_dma2 semaphore(%run_scoped3A : memref<!tpu.dma_semaphore, #tpu.memory_space<semaphore_mem>>) src(%dma_wait3A_28 : memref<640x128xf32, #tpu.memory_space<vmem_shared>>) dst(%dma_wait3A_26 : memref<640x128xf32, #tpu.memory_space<hbm>>)
      tpu.yield
    }) : () -> ()
    return
  }
}

#map = affine_map<(d0, d1) -> (0, 0)>
#map1 = affine_map<(d0, d1) -> (0, 0, 0)>
module attributes {stable_mosaic.version = 14 : i64} {
  func.func @agg_kernel(%arg0: i32, %arg1: i32, %arg2: memref<10000x128xf32, #tpu.memory_space<hbm>>, %arg3: memref<2560x128xi32, #tpu.memory_space<hbm>>, %arg4: memref<2560x128xi32, #tpu.memory_space<hbm>>, %arg5: memref<128x128xf32, #tpu.memory_space<hbm>>, %arg6: memref<2x10240x128xf32, #tpu.memory_space<hbm>>, %arg7: memref<80x128xi32, #tpu.memory_space<vmem>>, %arg8: memref<80x128xi32, #tpu.memory_space<vmem>>, %arg9: memref<128x128xf32, #tpu.memory_space<vmem>>, %arg10: memref<10240x128xf32, #tpu.memory_space<vmem_shared>>, %arg11: memref<!tpu.dma_semaphore, #tpu.memory_space<semaphore_mem>>) attributes {dimension_semantics = [#tpu.dimension_semantics<core_parallel>, #tpu.dimension_semantics<subcore_parallel>], iteration_bounds = array<i64: 2, 16>, scalar_prefetch = 0 : i64, scratch_operands = 5 : i64, tpu.core_type = #tpu.core_type<sc_vector_subcore>, window_params = [{transform_indices = #map}, {transform_indices = #map}, {transform_indices = #map}, {transform_indices = #map}, {transform_indices = #map1}]} {
    %mul3A = arith.constant 16 : i32
    %mul3A_0 = arith.muli %arg0, %mul3A : i32
    %add3A = arith.addi %mul3A_0, %arg1 : i32
    "tpu.region"() ({
      %run_scoped3A = tpu.sem_alloc : memref<!tpu.dma_semaphore, #tpu.memory_space<semaphore_mem>>
      tpu.enqueue_dma source(%arg5 : memref<128x128xf32, #tpu.memory_space<hbm>>) target(%arg9 : memref<128x128xf32, #tpu.memory_space<vmem>>) target_semaphore(%run_scoped3A : memref<!tpu.dma_semaphore, #tpu.memory_space<semaphore_mem>>)
      tpu.wait_dma2 semaphore(%run_scoped3A : memref<!tpu.dma_semaphore, #tpu.memory_space<semaphore_mem>>) src(%arg5 : memref<128x128xf32, #tpu.memory_space<hbm>>) dst(%arg9 : memref<128x128xf32, #tpu.memory_space<vmem>>)
      tpu.yield
    }) : () -> ()
    %mul3A_1 = arith.constant 640 : i32
    %mul3A_2 = arith.muli %arg1, %mul3A_1 : i32
    %add3A_3 = arith.constant 0 : i32
    %add3A_4 = arith.addi %mul3A_2, %add3A_3 : i32
    "tpu.region"() ({
      %run_scoped3A = tpu.sem_alloc : memref<!tpu.dma_semaphore, #tpu.memory_space<semaphore_mem>>
      %dma_start3A = arith.constant 0 : i32
      %dma_start3A_21 = tpu.memref_slice %arg10[%add3A_4, %dma_start3A] : memref<10240x128xf32, #tpu.memory_space<vmem_shared>> -> memref<128x128xf32, #tpu.memory_space<vmem_shared>>
      %dma_start3A_22 = arith.constant 0 : i32
      %dma_start3A_23 = tpu.memref_slice %arg10[%add3A_4, %dma_start3A_22] : memref<10240x128xf32, #tpu.memory_space<vmem_shared>> -> memref<128x128xf32, #tpu.memory_space<vmem_shared>>
      tpu.enqueue_dma source(%arg9 : memref<128x128xf32, #tpu.memory_space<vmem>>) target(%dma_start3A_23 : memref<128x128xf32, #tpu.memory_space<vmem_shared>>) target_semaphore(%run_scoped3A : memref<!tpu.dma_semaphore, #tpu.memory_space<semaphore_mem>>)
      %dma_wait3A = arith.constant 0 : i32
      %dma_wait3A_24 = tpu.memref_slice %arg10[%add3A_4, %dma_wait3A] : memref<10240x128xf32, #tpu.memory_space<vmem_shared>> -> memref<128x128xf32, #tpu.memory_space<vmem_shared>>
      %dma_wait3A_25 = arith.constant 0 : i32
      %dma_wait3A_26 = tpu.memref_slice %arg10[%add3A_4, %dma_wait3A_25] : memref<10240x128xf32, #tpu.memory_space<vmem_shared>> -> memref<128x128xf32, #tpu.memory_space<vmem_shared>>
      tpu.wait_dma2 semaphore(%run_scoped3A : memref<!tpu.dma_semaphore, #tpu.memory_space<semaphore_mem>>) src(%arg9 : memref<128x128xf32, #tpu.memory_space<vmem>>) dst(%dma_wait3A_26 : memref<128x128xf32, #tpu.memory_space<vmem_shared>>)
      tpu.yield
    }) : () -> ()
    %add3A_5 = arith.constant 128 : i32
    %add3A_6 = arith.addi %mul3A_2, %add3A_5 : i32
    "tpu.region"() ({
      %run_scoped3A = tpu.sem_alloc : memref<!tpu.dma_semaphore, #tpu.memory_space<semaphore_mem>>
      %dma_start3A = arith.constant 0 : i32
      %dma_start3A_21 = tpu.memref_slice %arg10[%add3A_6, %dma_start3A] : memref<10240x128xf32, #tpu.memory_space<vmem_shared>> -> memref<128x128xf32, #tpu.memory_space<vmem_shared>>
      %dma_start3A_22 = arith.constant 0 : i32
      %dma_start3A_23 = tpu.memref_slice %arg10[%add3A_6, %dma_start3A_22] : memref<10240x128xf32, #tpu.memory_space<vmem_shared>> -> memref<128x128xf32, #tpu.memory_space<vmem_shared>>
      tpu.enqueue_dma source(%arg9 : memref<128x128xf32, #tpu.memory_space<vmem>>) target(%dma_start3A_23 : memref<128x128xf32, #tpu.memory_space<vmem_shared>>) target_semaphore(%run_scoped3A : memref<!tpu.dma_semaphore, #tpu.memory_space<semaphore_mem>>)
      %dma_wait3A = arith.constant 0 : i32
      %dma_wait3A_24 = tpu.memref_slice %arg10[%add3A_6, %dma_wait3A] : memref<10240x128xf32, #tpu.memory_space<vmem_shared>> -> memref<128x128xf32, #tpu.memory_space<vmem_shared>>
      %dma_wait3A_25 = arith.constant 0 : i32
      %dma_wait3A_26 = tpu.memref_slice %arg10[%add3A_6, %dma_wait3A_25] : memref<10240x128xf32, #tpu.memory_space<vmem_shared>> -> memref<128x128xf32, #tpu.memory_space<vmem_shared>>
      tpu.wait_dma2 semaphore(%run_scoped3A : memref<!tpu.dma_semaphore, #tpu.memory_space<semaphore_mem>>) src(%arg9 : memref<128x128xf32, #tpu.memory_space<vmem>>) dst(%dma_wait3A_26 : memref<128x128xf32, #tpu.memory_space<vmem_shared>>)
      tpu.yield
    }) : () -> ()
    %add3A_7 = arith.constant 256 : i32
    %add3A_8 = arith.addi %mul3A_2, %add3A_7 : i32
    "tpu.region"() ({
      %run_scoped3A = tpu.sem_alloc : memref<!tpu.dma_semaphore, #tpu.memory_space<semaphore_mem>>
      %dma_start3A = arith.constant 0 : i32
      %dma_start3A_21 = tpu.memref_slice %arg10[%add3A_8, %dma_start3A] : memref<10240x128xf32, #tpu.memory_space<vmem_shared>> -> memref<128x128xf32, #tpu.memory_space<vmem_shared>>
      %dma_start3A_22 = arith.constant 0 : i32
      %dma_start3A_23 = tpu.memref_slice %arg10[%add3A_8, %dma_start3A_22] : memref<10240x128xf32, #tpu.memory_space<vmem_shared>> -> memref<128x128xf32, #tpu.memory_space<vmem_shared>>
      tpu.enqueue_dma source(%arg9 : memref<128x128xf32, #tpu.memory_space<vmem>>) target(%dma_start3A_23 : memref<128x128xf32, #tpu.memory_space<vmem_shared>>) target_semaphore(%run_scoped3A : memref<!tpu.dma_semaphore, #tpu.memory_space<semaphore_mem>>)
      %dma_wait3A = arith.constant 0 : i32
      %dma_wait3A_24 = tpu.memref_slice %arg10[%add3A_8, %dma_wait3A] : memref<10240x128xf32, #tpu.memory_space<vmem_shared>> -> memref<128x128xf32, #tpu.memory_space<vmem_shared>>
      %dma_wait3A_25 = arith.constant 0 : i32
      %dma_wait3A_26 = tpu.memref_slice %arg10[%add3A_8, %dma_wait3A_25] : memref<10240x128xf32, #tpu.memory_space<vmem_shared>> -> memref<128x128xf32, #tpu.memory_space<vmem_shared>>
      tpu.wait_dma2 semaphore(%run_scoped3A : memref<!tpu.dma_semaphore, #tpu.memory_space<semaphore_mem>>) src(%arg9 : memref<128x128xf32, #tpu.memory_space<vmem>>) dst(%dma_wait3A_26 : memref<128x128xf32, #tpu.memory_space<vmem_shared>>)
      tpu.yield
    }) : () -> ()
    %add3A_9 = arith.constant 384 : i32
    %add3A_10 = arith.addi %mul3A_2, %add3A_9 : i32
    "tpu.region"() ({
      %run_scoped3A = tpu.sem_alloc : memref<!tpu.dma_semaphore, #tpu.memory_space<semaphore_mem>>
      %dma_start3A = arith.constant 0 : i32
      %dma_start3A_21 = tpu.memref_slice %arg10[%add3A_10, %dma_start3A] : memref<10240x128xf32, #tpu.memory_space<vmem_shared>> -> memref<128x128xf32, #tpu.memory_space<vmem_shared>>
      %dma_start3A_22 = arith.constant 0 : i32
      %dma_start3A_23 = tpu.memref_slice %arg10[%add3A_10, %dma_start3A_22] : memref<10240x128xf32, #tpu.memory_space<vmem_shared>> -> memref<128x128xf32, #tpu.memory_space<vmem_shared>>
      tpu.enqueue_dma source(%arg9 : memref<128x128xf32, #tpu.memory_space<vmem>>) target(%dma_start3A_23 : memref<128x128xf32, #tpu.memory_space<vmem_shared>>) target_semaphore(%run_scoped3A : memref<!tpu.dma_semaphore, #tpu.memory_space<semaphore_mem>>)
      %dma_wait3A = arith.constant 0 : i32
      %dma_wait3A_24 = tpu.memref_slice %arg10[%add3A_10, %dma_wait3A] : memref<10240x128xf32, #tpu.memory_space<vmem_shared>> -> memref<128x128xf32, #tpu.memory_space<vmem_shared>>
      %dma_wait3A_25 = arith.constant 0 : i32
      %dma_wait3A_26 = tpu.memref_slice %arg10[%add3A_10, %dma_wait3A_25] : memref<10240x128xf32, #tpu.memory_space<vmem_shared>> -> memref<128x128xf32, #tpu.memory_space<vmem_shared>>
      tpu.wait_dma2 semaphore(%run_scoped3A : memref<!tpu.dma_semaphore, #tpu.memory_space<semaphore_mem>>) src(%arg9 : memref<128x128xf32, #tpu.memory_space<vmem>>) dst(%dma_wait3A_26 : memref<128x128xf32, #tpu.memory_space<vmem_shared>>)
      tpu.yield
    }) : () -> ()
    %add3A_11 = arith.constant 512 : i32
    %add3A_12 = arith.addi %mul3A_2, %add3A_11 : i32
    "tpu.region"() ({
      %run_scoped3A = tpu.sem_alloc : memref<!tpu.dma_semaphore, #tpu.memory_space<semaphore_mem>>
      %dma_start3A = arith.constant 0 : i32
      %dma_start3A_21 = tpu.memref_slice %arg10[%add3A_12, %dma_start3A] : memref<10240x128xf32, #tpu.memory_space<vmem_shared>> -> memref<128x128xf32, #tpu.memory_space<vmem_shared>>
      %dma_start3A_22 = arith.constant 0 : i32
      %dma_start3A_23 = tpu.memref_slice %arg10[%add3A_12, %dma_start3A_22] : memref<10240x128xf32, #tpu.memory_space<vmem_shared>> -> memref<128x128xf32, #tpu.memory_space<vmem_shared>>
      tpu.enqueue_dma source(%arg9 : memref<128x128xf32, #tpu.memory_space<vmem>>) target(%dma_start3A_23 : memref<128x128xf32, #tpu.memory_space<vmem_shared>>) target_semaphore(%run_scoped3A : memref<!tpu.dma_semaphore, #tpu.memory_space<semaphore_mem>>)
      %dma_wait3A = arith.constant 0 : i32
      %dma_wait3A_24 = tpu.memref_slice %arg10[%add3A_12, %dma_wait3A] : memref<10240x128xf32, #tpu.memory_space<vmem_shared>> -> memref<128x128xf32, #tpu.memory_space<vmem_shared>>
      %dma_wait3A_25 = arith.constant 0 : i32
      %dma_wait3A_26 = tpu.memref_slice %arg10[%add3A_12, %dma_wait3A_25] : memref<10240x128xf32, #tpu.memory_space<vmem_shared>> -> memref<128x128xf32, #tpu.memory_space<vmem_shared>>
      tpu.wait_dma2 semaphore(%run_scoped3A : memref<!tpu.dma_semaphore, #tpu.memory_space<semaphore_mem>>) src(%arg9 : memref<128x128xf32, #tpu.memory_space<vmem>>) dst(%dma_wait3A_26 : memref<128x128xf32, #tpu.memory_space<vmem_shared>>)
      tpu.yield
    }) : () -> ()
    %barrier3A = arith.constant 0 : index
    tpu.barrier barrier_id(%barrier3A)
    %mul3A_13 = arith.constant 80 : i32
    %mul3A_14 = arith.muli %add3A, %mul3A_13 : i32
    "tpu.region"() ({
      %run_scoped3A = tpu.sem_alloc : memref<!tpu.dma_semaphore, #tpu.memory_space<semaphore_mem>>
      %dma_start3A = arith.constant 0 : i32
      %dma_start3A_21 = tpu.memref_slice %arg3[%mul3A_14, %dma_start3A] : memref<2560x128xi32, #tpu.memory_space<hbm>> -> memref<80x128xi32, #tpu.memory_space<hbm>>
      %dma_start3A_22 = arith.constant 0 : i32
      %dma_start3A_23 = tpu.memref_slice %arg3[%mul3A_14, %dma_start3A_22] : memref<2560x128xi32, #tpu.memory_space<hbm>> -> memref<80x128xi32, #tpu.memory_space<hbm>>
      tpu.enqueue_dma source(%dma_start3A_23 : memref<80x128xi32, #tpu.memory_space<hbm>>) target(%arg7 : memref<80x128xi32, #tpu.memory_space<vmem>>) target_semaphore(%run_scoped3A : memref<!tpu.dma_semaphore, #tpu.memory_space<semaphore_mem>>)
      %dma_wait3A = arith.constant 0 : i32
      %dma_wait3A_24 = tpu.memref_slice %arg3[%mul3A_14, %dma_wait3A] : memref<2560x128xi32, #tpu.memory_space<hbm>> -> memref<80x128xi32, #tpu.memory_space<hbm>>
      %dma_wait3A_25 = arith.constant 0 : i32
      %dma_wait3A_26 = tpu.memref_slice %arg3[%mul3A_14, %dma_wait3A_25] : memref<2560x128xi32, #tpu.memory_space<hbm>> -> memref<80x128xi32, #tpu.memory_space<hbm>>
      tpu.wait_dma2 semaphore(%run_scoped3A : memref<!tpu.dma_semaphore, #tpu.memory_space<semaphore_mem>>) src(%dma_wait3A_26 : memref<80x128xi32, #tpu.memory_space<hbm>>) dst(%arg7 : memref<80x128xi32, #tpu.memory_space<vmem>>)
      tpu.yield
    }) : () -> ()
    "tpu.region"() ({
      %run_scoped3A = tpu.sem_alloc : memref<!tpu.dma_semaphore, #tpu.memory_space<semaphore_mem>>
      %dma_start3A = arith.constant 0 : i32
      %dma_start3A_21 = tpu.memref_slice %arg4[%mul3A_14, %dma_start3A] : memref<2560x128xi32, #tpu.memory_space<hbm>> -> memref<80x128xi32, #tpu.memory_space<hbm>>
      %dma_start3A_22 = arith.constant 0 : i32
      %dma_start3A_23 = tpu.memref_slice %arg4[%mul3A_14, %dma_start3A_22] : memref<2560x128xi32, #tpu.memory_space<hbm>> -> memref<80x128xi32, #tpu.memory_space<hbm>>
      tpu.enqueue_dma source(%dma_start3A_23 : memref<80x128xi32, #tpu.memory_space<hbm>>) target(%arg8 : memref<80x128xi32, #tpu.memory_space<vmem>>) target_semaphore(%run_scoped3A : memref<!tpu.dma_semaphore, #tpu.memory_space<semaphore_mem>>)
      %dma_wait3A = arith.constant 0 : i32
      %dma_wait3A_24 = tpu.memref_slice %arg4[%mul3A_14, %dma_wait3A] : memref<2560x128xi32, #tpu.memory_space<hbm>> -> memref<80x128xi32, #tpu.memory_space<hbm>>
      %dma_wait3A_25 = arith.constant 0 : i32
      %dma_wait3A_26 = tpu.memref_slice %arg4[%mul3A_14, %dma_wait3A_25] : memref<2560x128xi32, #tpu.memory_space<hbm>> -> memref<80x128xi32, #tpu.memory_space<hbm>>
      tpu.wait_dma2 semaphore(%run_scoped3A : memref<!tpu.dma_semaphore, #tpu.memory_space<semaphore_mem>>) src(%dma_wait3A_26 : memref<80x128xi32, #tpu.memory_space<hbm>>) dst(%arg8 : memref<80x128xi32, #tpu.memory_space<vmem>>)
      tpu.yield
    }) : () -> ()
    %scan3A = arith.constant 0 : i32
    %scan3A_15 = arith.constant 0 : i32
    %scan3A_16 = arith.constant 80 : i32
    %scan3A_17 = arith.addi %scan3A_15, %scan3A_16 : i32
    %scan3A_18 = arith.constant 1 : i32
    scf.for %scan3A_21 = %scan3A_15 to %scan3A_17 step %scan3A_18  : i32 {
      %dma_start3A = arith.constant 0 : i32
      %dma_start3A_22 = tpu.memref_slice %arg7[%scan3A_21, %dma_start3A] : memref<80x128xi32, #tpu.memory_space<vmem>> -> memref<1x128xi32, #tpu.memory_space<vmem>>
      %dma_start3A_23 = tpu.memref_squeeze %dma_start3A_22 : memref<1x128xi32, #tpu.memory_space<vmem>> -> memref<128xi32, #tpu.memory_space<vmem>>
      %dma_start3A_24 = arith.constant 0 : i32
      %dma_start3A_25 = arith.constant 0 : i32
      %dma_start3A_26 = tpu.memref_slice %arg2[%dma_start3A_24, %dma_start3A_25] : memref<10000x128xf32, #tpu.memory_space<hbm>> -> memref<10000x128xf32, #tpu.memory_space<hbm>>
      tpu.enqueue_indirect_dma source(%dma_start3A_26 : memref<10000x128xf32, #tpu.memory_space<hbm>>) target(%arg9 : memref<128x128xf32, #tpu.memory_space<vmem>>) offsets(%dma_start3A_23 : memref<128xi32, #tpu.memory_space<vmem>>) semaphore(%arg11 : memref<!tpu.dma_semaphore, #tpu.memory_space<semaphore_mem>>)
      %dma_wait3A = arith.constant 0 : i32
      %dma_wait3A_27 = tpu.memref_slice %arg7[%scan3A_21, %dma_wait3A] : memref<80x128xi32, #tpu.memory_space<vmem>> -> memref<1x128xi32, #tpu.memory_space<vmem>>
      %dma_wait3A_28 = tpu.memref_squeeze %dma_wait3A_27 : memref<1x128xi32, #tpu.memory_space<vmem>> -> memref<128xi32, #tpu.memory_space<vmem>>
      %dma_wait3A_29 = arith.constant 0 : i32
      %dma_wait3A_30 = arith.constant 0 : i32
      %dma_wait3A_31 = tpu.memref_slice %arg2[%dma_wait3A_29, %dma_wait3A_30] : memref<10000x128xf32, #tpu.memory_space<hbm>> -> memref<10000x128xf32, #tpu.memory_space<hbm>>
      tpu.wait_indirect_dma semaphore(%arg11 : memref<!tpu.dma_semaphore, #tpu.memory_space<semaphore_mem>>) src(%dma_wait3A_31 : memref<10000x128xf32, #tpu.memory_space<hbm>>) dst(%arg9 : memref<128x128xf32, #tpu.memory_space<vmem>>)
      "tpu.region"() ({
        %run_scoped3A = tpu.sem_alloc : memref<!tpu.dma_semaphore, #tpu.memory_space<semaphore_mem>>
        %dma_start3A_32 = arith.constant 0 : i32
        %dma_start3A_33 = tpu.memref_slice %arg8[%scan3A_21, %dma_start3A_32] : memref<80x128xi32, #tpu.memory_space<vmem>> -> memref<1x128xi32, #tpu.memory_space<vmem>>
        %dma_start3A_34 = tpu.memref_squeeze %dma_start3A_33 : memref<1x128xi32, #tpu.memory_space<vmem>> -> memref<128xi32, #tpu.memory_space<vmem>>
        %dma_start3A_35 = arith.constant 0 : i32
        %dma_start3A_36 = arith.constant 0 : i32
        %dma_start3A_37 = tpu.memref_slice %arg10[%dma_start3A_35, %dma_start3A_36] : memref<10240x128xf32, #tpu.memory_space<vmem_shared>> -> memref<10240x128xf32, #tpu.memory_space<vmem_shared>>
        tpu.enqueue_indirect_dma source(%arg9 : memref<128x128xf32, #tpu.memory_space<vmem>>) target(%dma_start3A_37 : memref<10240x128xf32, #tpu.memory_space<vmem_shared>>) offsets(%dma_start3A_34 : memref<128xi32, #tpu.memory_space<vmem>>) semaphore(%run_scoped3A : memref<!tpu.dma_semaphore, #tpu.memory_space<semaphore_mem>>) {add = true}
        %dma_wait3A_38 = arith.constant 0 : i32
        %dma_wait3A_39 = tpu.memref_slice %arg8[%scan3A_21, %dma_wait3A_38] : memref<80x128xi32, #tpu.memory_space<vmem>> -> memref<1x128xi32, #tpu.memory_space<vmem>>
        %dma_wait3A_40 = tpu.memref_squeeze %dma_wait3A_39 : memref<1x128xi32, #tpu.memory_space<vmem>> -> memref<128xi32, #tpu.memory_space<vmem>>
        %dma_wait3A_41 = arith.constant 0 : i32
        %dma_wait3A_42 = arith.constant 0 : i32
        %dma_wait3A_43 = tpu.memref_slice %arg10[%dma_wait3A_41, %dma_wait3A_42] : memref<10240x128xf32, #tpu.memory_space<vmem_shared>> -> memref<10240x128xf32, #tpu.memory_space<vmem_shared>>
        tpu.wait_indirect_dma semaphore(%run_scoped3A : memref<!tpu.dma_semaphore, #tpu.memory_space<semaphore_mem>>) src(%arg9 : memref<128x128xf32, #tpu.memory_space<vmem>>) dst(%dma_wait3A_43 : memref<10240x128xf32, #tpu.memory_space<vmem_shared>>)
        tpu.yield
      }) : () -> ()
    }
    %scan3A_19 = arith.constant 80 : i32
    %barrier3A_20 = arith.constant 0 : index
    tpu.barrier barrier_id(%barrier3A_20)
    "tpu.region"() ({
      %run_scoped3A = tpu.sem_alloc : memref<!tpu.dma_semaphore, #tpu.memory_space<semaphore_mem>>
      %dma_start3A = arith.constant 0 : i32
      %dma_start3A_21 = tpu.memref_slice %arg6[%arg0, %mul3A_2, %dma_start3A] : memref<2x10240x128xf32, #tpu.memory_space<hbm>> -> memref<1x640x128xf32, #tpu.memory_space<hbm>>
      %dma_start3A_22 = tpu.memref_squeeze %dma_start3A_21 : memref<1x640x128xf32, #tpu.memory_space<hbm>> -> memref<640x128xf32, #tpu.memory_space<hbm>>
      %dma_start3A_23 = arith.constant 0 : i32
      %dma_start3A_24 = tpu.memref_slice %arg10[%mul3A_2, %dma_start3A_23] : memref<10240x128xf32, #tpu.memory_space<vmem_shared>> -> memref<640x128xf32, #tpu.memory_space<vmem_shared>>
      tpu.enqueue_dma source(%dma_start3A_24 : memref<640x128xf32, #tpu.memory_space<vmem_shared>>) target(%dma_start3A_22 : memref<640x128xf32, #tpu.memory_space<hbm>>) target_semaphore(%run_scoped3A : memref<!tpu.dma_semaphore, #tpu.memory_space<semaphore_mem>>)
      %dma_wait3A = arith.constant 0 : i32
      %dma_wait3A_25 = tpu.memref_slice %arg6[%arg0, %mul3A_2, %dma_wait3A] : memref<2x10240x128xf32, #tpu.memory_space<hbm>> -> memref<1x640x128xf32, #tpu.memory_space<hbm>>
      %dma_wait3A_26 = tpu.memref_squeeze %dma_wait3A_25 : memref<1x640x128xf32, #tpu.memory_space<hbm>> -> memref<640x128xf32, #tpu.memory_space<hbm>>
      %dma_wait3A_27 = arith.constant 0 : i32
      %dma_wait3A_28 = tpu.memref_slice %arg10[%mul3A_2, %dma_wait3A_27] : memref<10240x128xf32, #tpu.memory_space<vmem_shared>> -> memref<640x128xf32, #tpu.memory_space<vmem_shared>>
      tpu.wait_dma2 semaphore(%run_scoped3A : memref<!tpu.dma_semaphore, #tpu.memory_space<semaphore_mem>>) src(%dma_wait3A_28 : memref<640x128xf32, #tpu.memory_space<vmem_shared>>) dst(%dma_wait3A_26 : memref<640x128xf32, #tpu.memory_space<hbm>>)
      tpu.yield
    }) : () -> ()
    return
  }
}

#map = affine_map<(d0, d1) -> (0, 0)>
#map1 = affine_map<(d0, d1) -> (0, 0, 0)>
module attributes {stable_mosaic.version = 14 : i64} {
  func.func @agg_kernel(%arg0: i32, %arg1: i32, %arg2: memref<10000x128xf32, #tpu.memory_space<hbm>>, %arg3: memref<2560x128xi32, #tpu.memory_space<hbm>>, %arg4: memref<2560x128xi32, #tpu.memory_space<hbm>>, %arg5: memref<128x128xf32, #tpu.memory_space<hbm>>, %arg6: memref<2x10240x128xf32, #tpu.memory_space<hbm>>, %arg7: memref<80x128xi32, #tpu.memory_space<vmem>>, %arg8: memref<80x128xi32, #tpu.memory_space<vmem>>, %arg9: memref<128x128xf32, #tpu.memory_space<vmem>>, %arg10: memref<10240x128xf32, #tpu.memory_space<vmem_shared>>, %arg11: memref<!tpu.dma_semaphore, #tpu.memory_space<semaphore_mem>>) attributes {dimension_semantics = [#tpu.dimension_semantics<core_parallel>, #tpu.dimension_semantics<subcore_parallel>], iteration_bounds = array<i64: 2, 16>, scalar_prefetch = 0 : i64, scratch_operands = 5 : i64, tpu.core_type = #tpu.core_type<sc_vector_subcore>, window_params = [{transform_indices = #map}, {transform_indices = #map}, {transform_indices = #map}, {transform_indices = #map}, {transform_indices = #map1}]} {
    %mul3A = arith.constant 16 : i32
    %mul3A_0 = arith.muli %arg0, %mul3A : i32
    %add3A = arith.addi %mul3A_0, %arg1 : i32
    "tpu.region"() ({
      %run_scoped3A = tpu.sem_alloc : memref<!tpu.dma_semaphore, #tpu.memory_space<semaphore_mem>>
      tpu.enqueue_dma source(%arg5 : memref<128x128xf32, #tpu.memory_space<hbm>>) target(%arg9 : memref<128x128xf32, #tpu.memory_space<vmem>>) target_semaphore(%run_scoped3A : memref<!tpu.dma_semaphore, #tpu.memory_space<semaphore_mem>>)
      tpu.wait_dma2 semaphore(%run_scoped3A : memref<!tpu.dma_semaphore, #tpu.memory_space<semaphore_mem>>) src(%arg5 : memref<128x128xf32, #tpu.memory_space<hbm>>) dst(%arg9 : memref<128x128xf32, #tpu.memory_space<vmem>>)
      tpu.yield
    }) : () -> ()
    %mul3A_1 = arith.constant 640 : i32
    %mul3A_2 = arith.muli %arg1, %mul3A_1 : i32
    %add3A_3 = arith.constant 0 : i32
    %add3A_4 = arith.addi %mul3A_2, %add3A_3 : i32
    "tpu.region"() ({
      %run_scoped3A = tpu.sem_alloc : memref<!tpu.dma_semaphore, #tpu.memory_space<semaphore_mem>>
      %dma_start3A = arith.constant 0 : i32
      %dma_start3A_21 = tpu.memref_slice %arg10[%add3A_4, %dma_start3A] : memref<10240x128xf32, #tpu.memory_space<vmem_shared>> -> memref<128x128xf32, #tpu.memory_space<vmem_shared>>
      %dma_start3A_22 = arith.constant 0 : i32
      %dma_start3A_23 = tpu.memref_slice %arg10[%add3A_4, %dma_start3A_22] : memref<10240x128xf32, #tpu.memory_space<vmem_shared>> -> memref<128x128xf32, #tpu.memory_space<vmem_shared>>
      tpu.enqueue_dma source(%arg9 : memref<128x128xf32, #tpu.memory_space<vmem>>) target(%dma_start3A_23 : memref<128x128xf32, #tpu.memory_space<vmem_shared>>) target_semaphore(%run_scoped3A : memref<!tpu.dma_semaphore, #tpu.memory_space<semaphore_mem>>)
      %dma_wait3A = arith.constant 0 : i32
      %dma_wait3A_24 = tpu.memref_slice %arg10[%add3A_4, %dma_wait3A] : memref<10240x128xf32, #tpu.memory_space<vmem_shared>> -> memref<128x128xf32, #tpu.memory_space<vmem_shared>>
      %dma_wait3A_25 = arith.constant 0 : i32
      %dma_wait3A_26 = tpu.memref_slice %arg10[%add3A_4, %dma_wait3A_25] : memref<10240x128xf32, #tpu.memory_space<vmem_shared>> -> memref<128x128xf32, #tpu.memory_space<vmem_shared>>
      tpu.wait_dma2 semaphore(%run_scoped3A : memref<!tpu.dma_semaphore, #tpu.memory_space<semaphore_mem>>) src(%arg9 : memref<128x128xf32, #tpu.memory_space<vmem>>) dst(%dma_wait3A_26 : memref<128x128xf32, #tpu.memory_space<vmem_shared>>)
      tpu.yield
    }) : () -> ()
    %add3A_5 = arith.constant 128 : i32
    %add3A_6 = arith.addi %mul3A_2, %add3A_5 : i32
    "tpu.region"() ({
      %run_scoped3A = tpu.sem_alloc : memref<!tpu.dma_semaphore, #tpu.memory_space<semaphore_mem>>
      %dma_start3A = arith.constant 0 : i32
      %dma_start3A_21 = tpu.memref_slice %arg10[%add3A_6, %dma_start3A] : memref<10240x128xf32, #tpu.memory_space<vmem_shared>> -> memref<128x128xf32, #tpu.memory_space<vmem_shared>>
      %dma_start3A_22 = arith.constant 0 : i32
      %dma_start3A_23 = tpu.memref_slice %arg10[%add3A_6, %dma_start3A_22] : memref<10240x128xf32, #tpu.memory_space<vmem_shared>> -> memref<128x128xf32, #tpu.memory_space<vmem_shared>>
      tpu.enqueue_dma source(%arg9 : memref<128x128xf32, #tpu.memory_space<vmem>>) target(%dma_start3A_23 : memref<128x128xf32, #tpu.memory_space<vmem_shared>>) target_semaphore(%run_scoped3A : memref<!tpu.dma_semaphore, #tpu.memory_space<semaphore_mem>>)
      %dma_wait3A = arith.constant 0 : i32
      %dma_wait3A_24 = tpu.memref_slice %arg10[%add3A_6, %dma_wait3A] : memref<10240x128xf32, #tpu.memory_space<vmem_shared>> -> memref<128x128xf32, #tpu.memory_space<vmem_shared>>
      %dma_wait3A_25 = arith.constant 0 : i32
      %dma_wait3A_26 = tpu.memref_slice %arg10[%add3A_6, %dma_wait3A_25] : memref<10240x128xf32, #tpu.memory_space<vmem_shared>> -> memref<128x128xf32, #tpu.memory_space<vmem_shared>>
      tpu.wait_dma2 semaphore(%run_scoped3A : memref<!tpu.dma_semaphore, #tpu.memory_space<semaphore_mem>>) src(%arg9 : memref<128x128xf32, #tpu.memory_space<vmem>>) dst(%dma_wait3A_26 : memref<128x128xf32, #tpu.memory_space<vmem_shared>>)
      tpu.yield
    }) : () -> ()
    %add3A_7 = arith.constant 256 : i32
    %add3A_8 = arith.addi %mul3A_2, %add3A_7 : i32
    "tpu.region"() ({
      %run_scoped3A = tpu.sem_alloc : memref<!tpu.dma_semaphore, #tpu.memory_space<semaphore_mem>>
      %dma_start3A = arith.constant 0 : i32
      %dma_start3A_21 = tpu.memref_slice %arg10[%add3A_8, %dma_start3A] : memref<10240x128xf32, #tpu.memory_space<vmem_shared>> -> memref<128x128xf32, #tpu.memory_space<vmem_shared>>
      %dma_start3A_22 = arith.constant 0 : i32
      %dma_start3A_23 = tpu.memref_slice %arg10[%add3A_8, %dma_start3A_22] : memref<10240x128xf32, #tpu.memory_space<vmem_shared>> -> memref<128x128xf32, #tpu.memory_space<vmem_shared>>
      tpu.enqueue_dma source(%arg9 : memref<128x128xf32, #tpu.memory_space<vmem>>) target(%dma_start3A_23 : memref<128x128xf32, #tpu.memory_space<vmem_shared>>) target_semaphore(%run_scoped3A : memref<!tpu.dma_semaphore, #tpu.memory_space<semaphore_mem>>)
      %dma_wait3A = arith.constant 0 : i32
      %dma_wait3A_24 = tpu.memref_slice %arg10[%add3A_8, %dma_wait3A] : memref<10240x128xf32, #tpu.memory_space<vmem_shared>> -> memref<128x128xf32, #tpu.memory_space<vmem_shared>>
      %dma_wait3A_25 = arith.constant 0 : i32
      %dma_wait3A_26 = tpu.memref_slice %arg10[%add3A_8, %dma_wait3A_25] : memref<10240x128xf32, #tpu.memory_space<vmem_shared>> -> memref<128x128xf32, #tpu.memory_space<vmem_shared>>
      tpu.wait_dma2 semaphore(%run_scoped3A : memref<!tpu.dma_semaphore, #tpu.memory_space<semaphore_mem>>) src(%arg9 : memref<128x128xf32, #tpu.memory_space<vmem>>) dst(%dma_wait3A_26 : memref<128x128xf32, #tpu.memory_space<vmem_shared>>)
      tpu.yield
    }) : () -> ()
    %add3A_9 = arith.constant 384 : i32
    %add3A_10 = arith.addi %mul3A_2, %add3A_9 : i32
    "tpu.region"() ({
      %run_scoped3A = tpu.sem_alloc : memref<!tpu.dma_semaphore, #tpu.memory_space<semaphore_mem>>
      %dma_start3A = arith.constant 0 : i32
      %dma_start3A_21 = tpu.memref_slice %arg10[%add3A_10, %dma_start3A] : memref<10240x128xf32, #tpu.memory_space<vmem_shared>> -> memref<128x128xf32, #tpu.memory_space<vmem_shared>>
      %dma_start3A_22 = arith.constant 0 : i32
      %dma_start3A_23 = tpu.memref_slice %arg10[%add3A_10, %dma_start3A_22] : memref<10240x128xf32, #tpu.memory_space<vmem_shared>> -> memref<128x128xf32, #tpu.memory_space<vmem_shared>>
      tpu.enqueue_dma source(%arg9 : memref<128x128xf32, #tpu.memory_space<vmem>>) target(%dma_start3A_23 : memref<128x128xf32, #tpu.memory_space<vmem_shared>>) target_semaphore(%run_scoped3A : memref<!tpu.dma_semaphore, #tpu.memory_space<semaphore_mem>>)
      %dma_wait3A = arith.constant 0 : i32
      %dma_wait3A_24 = tpu.memref_slice %arg10[%add3A_10, %dma_wait3A] : memref<10240x128xf32, #tpu.memory_space<vmem_shared>> -> memref<128x128xf32, #tpu.memory_space<vmem_shared>>
      %dma_wait3A_25 = arith.constant 0 : i32
      %dma_wait3A_26 = tpu.memref_slice %arg10[%add3A_10, %dma_wait3A_25] : memref<10240x128xf32, #tpu.memory_space<vmem_shared>> -> memref<128x128xf32, #tpu.memory_space<vmem_shared>>
      tpu.wait_dma2 semaphore(%run_scoped3A : memref<!tpu.dma_semaphore, #tpu.memory_space<semaphore_mem>>) src(%arg9 : memref<128x128xf32, #tpu.memory_space<vmem>>) dst(%dma_wait3A_26 : memref<128x128xf32, #tpu.memory_space<vmem_shared>>)
      tpu.yield
    }) : () -> ()
    %add3A_11 = arith.constant 512 : i32
    %add3A_12 = arith.addi %mul3A_2, %add3A_11 : i32
    "tpu.region"() ({
      %run_scoped3A = tpu.sem_alloc : memref<!tpu.dma_semaphore, #tpu.memory_space<semaphore_mem>>
      %dma_start3A = arith.constant 0 : i32
      %dma_start3A_21 = tpu.memref_slice %arg10[%add3A_12, %dma_start3A] : memref<10240x128xf32, #tpu.memory_space<vmem_shared>> -> memref<128x128xf32, #tpu.memory_space<vmem_shared>>
      %dma_start3A_22 = arith.constant 0 : i32
      %dma_start3A_23 = tpu.memref_slice %arg10[%add3A_12, %dma_start3A_22] : memref<10240x128xf32, #tpu.memory_space<vmem_shared>> -> memref<128x128xf32, #tpu.memory_space<vmem_shared>>
      tpu.enqueue_dma source(%arg9 : memref<128x128xf32, #tpu.memory_space<vmem>>) target(%dma_start3A_23 : memref<128x128xf32, #tpu.memory_space<vmem_shared>>) target_semaphore(%run_scoped3A : memref<!tpu.dma_semaphore, #tpu.memory_space<semaphore_mem>>)
      %dma_wait3A = arith.constant 0 : i32
      %dma_wait3A_24 = tpu.memref_slice %arg10[%add3A_12, %dma_wait3A] : memref<10240x128xf32, #tpu.memory_space<vmem_shared>> -> memref<128x128xf32, #tpu.memory_space<vmem_shared>>
      %dma_wait3A_25 = arith.constant 0 : i32
      %dma_wait3A_26 = tpu.memref_slice %arg10[%add3A_12, %dma_wait3A_25] : memref<10240x128xf32, #tpu.memory_space<vmem_shared>> -> memref<128x128xf32, #tpu.memory_space<vmem_shared>>
      tpu.wait_dma2 semaphore(%run_scoped3A : memref<!tpu.dma_semaphore, #tpu.memory_space<semaphore_mem>>) src(%arg9 : memref<128x128xf32, #tpu.memory_space<vmem>>) dst(%dma_wait3A_26 : memref<128x128xf32, #tpu.memory_space<vmem_shared>>)
      tpu.yield
    }) : () -> ()
    %barrier3A = arith.constant 0 : index
    tpu.barrier barrier_id(%barrier3A)
    %mul3A_13 = arith.constant 80 : i32
    %mul3A_14 = arith.muli %add3A, %mul3A_13 : i32
    "tpu.region"() ({
      %run_scoped3A = tpu.sem_alloc : memref<!tpu.dma_semaphore, #tpu.memory_space<semaphore_mem>>
      %dma_start3A = arith.constant 0 : i32
      %dma_start3A_21 = tpu.memref_slice %arg3[%mul3A_14, %dma_start3A] : memref<2560x128xi32, #tpu.memory_space<hbm>> -> memref<80x128xi32, #tpu.memory_space<hbm>>
      %dma_start3A_22 = arith.constant 0 : i32
      %dma_start3A_23 = tpu.memref_slice %arg3[%mul3A_14, %dma_start3A_22] : memref<2560x128xi32, #tpu.memory_space<hbm>> -> memref<80x128xi32, #tpu.memory_space<hbm>>
      tpu.enqueue_dma source(%dma_start3A_23 : memref<80x128xi32, #tpu.memory_space<hbm>>) target(%arg7 : memref<80x128xi32, #tpu.memory_space<vmem>>) target_semaphore(%run_scoped3A : memref<!tpu.dma_semaphore, #tpu.memory_space<semaphore_mem>>)
      %dma_wait3A = arith.constant 0 : i32
      %dma_wait3A_24 = tpu.memref_slice %arg3[%mul3A_14, %dma_wait3A] : memref<2560x128xi32, #tpu.memory_space<hbm>> -> memref<80x128xi32, #tpu.memory_space<hbm>>
      %dma_wait3A_25 = arith.constant 0 : i32
      %dma_wait3A_26 = tpu.memref_slice %arg3[%mul3A_14, %dma_wait3A_25] : memref<2560x128xi32, #tpu.memory_space<hbm>> -> memref<80x128xi32, #tpu.memory_space<hbm>>
      tpu.wait_dma2 semaphore(%run_scoped3A : memref<!tpu.dma_semaphore, #tpu.memory_space<semaphore_mem>>) src(%dma_wait3A_26 : memref<80x128xi32, #tpu.memory_space<hbm>>) dst(%arg7 : memref<80x128xi32, #tpu.memory_space<vmem>>)
      tpu.yield
    }) : () -> ()
    "tpu.region"() ({
      %run_scoped3A = tpu.sem_alloc : memref<!tpu.dma_semaphore, #tpu.memory_space<semaphore_mem>>
      %dma_start3A = arith.constant 0 : i32
      %dma_start3A_21 = tpu.memref_slice %arg4[%mul3A_14, %dma_start3A] : memref<2560x128xi32, #tpu.memory_space<hbm>> -> memref<80x128xi32, #tpu.memory_space<hbm>>
      %dma_start3A_22 = arith.constant 0 : i32
      %dma_start3A_23 = tpu.memref_slice %arg4[%mul3A_14, %dma_start3A_22] : memref<2560x128xi32, #tpu.memory_space<hbm>> -> memref<80x128xi32, #tpu.memory_space<hbm>>
      tpu.enqueue_dma source(%dma_start3A_23 : memref<80x128xi32, #tpu.memory_space<hbm>>) target(%arg8 : memref<80x128xi32, #tpu.memory_space<vmem>>) target_semaphore(%run_scoped3A : memref<!tpu.dma_semaphore, #tpu.memory_space<semaphore_mem>>)
      %dma_wait3A = arith.constant 0 : i32
      %dma_wait3A_24 = tpu.memref_slice %arg4[%mul3A_14, %dma_wait3A] : memref<2560x128xi32, #tpu.memory_space<hbm>> -> memref<80x128xi32, #tpu.memory_space<hbm>>
      %dma_wait3A_25 = arith.constant 0 : i32
      %dma_wait3A_26 = tpu.memref_slice %arg4[%mul3A_14, %dma_wait3A_25] : memref<2560x128xi32, #tpu.memory_space<hbm>> -> memref<80x128xi32, #tpu.memory_space<hbm>>
      tpu.wait_dma2 semaphore(%run_scoped3A : memref<!tpu.dma_semaphore, #tpu.memory_space<semaphore_mem>>) src(%dma_wait3A_26 : memref<80x128xi32, #tpu.memory_space<hbm>>) dst(%arg8 : memref<80x128xi32, #tpu.memory_space<vmem>>)
      tpu.yield
    }) : () -> ()
    %scan3A = arith.constant 0 : i32
    %scan3A_15 = arith.constant 0 : i32
    %scan3A_16 = arith.constant 80 : i32
    %scan3A_17 = arith.addi %scan3A_15, %scan3A_16 : i32
    %scan3A_18 = arith.constant 1 : i32
    scf.for %scan3A_21 = %scan3A_15 to %scan3A_17 step %scan3A_18  : i32 {
      %dma_start3A = arith.constant 0 : i32
      %dma_start3A_22 = tpu.memref_slice %arg7[%scan3A_21, %dma_start3A] : memref<80x128xi32, #tpu.memory_space<vmem>> -> memref<1x128xi32, #tpu.memory_space<vmem>>
      %dma_start3A_23 = tpu.memref_squeeze %dma_start3A_22 : memref<1x128xi32, #tpu.memory_space<vmem>> -> memref<128xi32, #tpu.memory_space<vmem>>
      %dma_start3A_24 = arith.constant 0 : i32
      %dma_start3A_25 = arith.constant 0 : i32
      %dma_start3A_26 = tpu.memref_slice %arg2[%dma_start3A_24, %dma_start3A_25] : memref<10000x128xf32, #tpu.memory_space<hbm>> -> memref<10000x128xf32, #tpu.memory_space<hbm>>
      tpu.enqueue_indirect_dma source(%dma_start3A_26 : memref<10000x128xf32, #tpu.memory_space<hbm>>) target(%arg9 : memref<128x128xf32, #tpu.memory_space<vmem>>) offsets(%dma_start3A_23 : memref<128xi32, #tpu.memory_space<vmem>>) semaphore(%arg11 : memref<!tpu.dma_semaphore, #tpu.memory_space<semaphore_mem>>)
      %dma_wait3A = arith.constant 0 : i32
      %dma_wait3A_27 = tpu.memref_slice %arg7[%scan3A_21, %dma_wait3A] : memref<80x128xi32, #tpu.memory_space<vmem>> -> memref<1x128xi32, #tpu.memory_space<vmem>>
      %dma_wait3A_28 = tpu.memref_squeeze %dma_wait3A_27 : memref<1x128xi32, #tpu.memory_space<vmem>> -> memref<128xi32, #tpu.memory_space<vmem>>
      %dma_wait3A_29 = arith.constant 0 : i32
      %dma_wait3A_30 = arith.constant 0 : i32
      %dma_wait3A_31 = tpu.memref_slice %arg2[%dma_wait3A_29, %dma_wait3A_30] : memref<10000x128xf32, #tpu.memory_space<hbm>> -> memref<10000x128xf32, #tpu.memory_space<hbm>>
      tpu.wait_indirect_dma semaphore(%arg11 : memref<!tpu.dma_semaphore, #tpu.memory_space<semaphore_mem>>) src(%dma_wait3A_31 : memref<10000x128xf32, #tpu.memory_space<hbm>>) dst(%arg9 : memref<128x128xf32, #tpu.memory_space<vmem>>)
      "tpu.region"() ({
        %run_scoped3A = tpu.sem_alloc : memref<!tpu.dma_semaphore, #tpu.memory_space<semaphore_mem>>
        %dma_start3A_32 = arith.constant 0 : i32
        %dma_start3A_33 = tpu.memref_slice %arg8[%scan3A_21, %dma_start3A_32] : memref<80x128xi32, #tpu.memory_space<vmem>> -> memref<1x128xi32, #tpu.memory_space<vmem>>
        %dma_start3A_34 = tpu.memref_squeeze %dma_start3A_33 : memref<1x128xi32, #tpu.memory_space<vmem>> -> memref<128xi32, #tpu.memory_space<vmem>>
        %dma_start3A_35 = arith.constant 0 : i32
        %dma_start3A_36 = arith.constant 0 : i32
        %dma_start3A_37 = tpu.memref_slice %arg10[%dma_start3A_35, %dma_start3A_36] : memref<10240x128xf32, #tpu.memory_space<vmem_shared>> -> memref<10240x128xf32, #tpu.memory_space<vmem_shared>>
        tpu.enqueue_indirect_dma source(%arg9 : memref<128x128xf32, #tpu.memory_space<vmem>>) target(%dma_start3A_37 : memref<10240x128xf32, #tpu.memory_space<vmem_shared>>) offsets(%dma_start3A_34 : memref<128xi32, #tpu.memory_space<vmem>>) semaphore(%run_scoped3A : memref<!tpu.dma_semaphore, #tpu.memory_space<semaphore_mem>>) {add = true}
        %dma_wait3A_38 = arith.constant 0 : i32
        %dma_wait3A_39 = tpu.memref_slice %arg8[%scan3A_21, %dma_wait3A_38] : memref<80x128xi32, #tpu.memory_space<vmem>> -> memref<1x128xi32, #tpu.memory_space<vmem>>
        %dma_wait3A_40 = tpu.memref_squeeze %dma_wait3A_39 : memref<1x128xi32, #tpu.memory_space<vmem>> -> memref<128xi32, #tpu.memory_space<vmem>>
        %dma_wait3A_41 = arith.constant 0 : i32
        %dma_wait3A_42 = arith.constant 0 : i32
        %dma_wait3A_43 = tpu.memref_slice %arg10[%dma_wait3A_41, %dma_wait3A_42] : memref<10240x128xf32, #tpu.memory_space<vmem_shared>> -> memref<10240x128xf32, #tpu.memory_space<vmem_shared>>
        tpu.wait_indirect_dma semaphore(%run_scoped3A : memref<!tpu.dma_semaphore, #tpu.memory_space<semaphore_mem>>) src(%arg9 : memref<128x128xf32, #tpu.memory_space<vmem>>) dst(%dma_wait3A_43 : memref<10240x128xf32, #tpu.memory_space<vmem_shared>>)
        tpu.yield
      }) : () -> ()
    }
    %scan3A_19 = arith.constant 80 : i32
    %barrier3A_20 = arith.constant 0 : index
    tpu.barrier barrier_id(%barrier3A_20)
    "tpu.region"() ({
      %run_scoped3A = tpu.sem_alloc : memref<!tpu.dma_semaphore, #tpu.memory_space<semaphore_mem>>
      %dma_start3A = arith.constant 0 : i32
      %dma_start3A_21 = tpu.memref_slice %arg6[%arg0, %mul3A_2, %dma_start3A] : memref<2x10240x128xf32, #tpu.memory_space<hbm>> -> memref<1x640x128xf32, #tpu.memory_space<hbm>>
      %dma_start3A_22 = tpu.memref_squeeze %dma_start3A_21 : memref<1x640x128xf32, #tpu.memory_space<hbm>> -> memref<640x128xf32, #tpu.memory_space<hbm>>
      %dma_start3A_23 = arith.constant 0 : i32
      %dma_start3A_24 = tpu.memref_slice %arg10[%mul3A_2, %dma_start3A_23] : memref<10240x128xf32, #tpu.memory_space<vmem_shared>> -> memref<640x128xf32, #tpu.memory_space<vmem_shared>>
      tpu.enqueue_dma source(%dma_start3A_24 : memref<640x128xf32, #tpu.memory_space<vmem_shared>>) target(%dma_start3A_22 : memref<640x128xf32, #tpu.memory_space<hbm>>) target_semaphore(%run_scoped3A : memref<!tpu.dma_semaphore, #tpu.memory_space<semaphore_mem>>)
      %dma_wait3A = arith.constant 0 : i32
      %dma_wait3A_25 = tpu.memref_slice %arg6[%arg0, %mul3A_2, %dma_wait3A] : memref<2x10240x128xf32, #tpu.memory_space<hbm>> -> memref<1x640x128xf32, #tpu.memory_space<hbm>>
      %dma_wait3A_26 = tpu.memref_squeeze %dma_wait3A_25 : memref<1x640x128xf32, #tpu.memory_space<hbm>> -> memref<640x128xf32, #tpu.memory_space<hbm>>
      %dma_wait3A_27 = arith.constant 0 : i32
      %dma_wait3A_28 = tpu.memref_slice %arg10[%mul3A_2, %dma_wait3A_27] : memref<10240x128xf32, #tpu.memory_space<vmem_shared>> -> memref<640x128xf32, #tpu.memory_space<vmem_shared>>
      tpu.wait_dma2 semaphore(%run_scoped3A : memref<!tpu.dma_semaphore, #tpu.memory_space<semaphore_mem>>) src(%dma_wait3A_28 : memref<640x128xf32, #tpu.memory_space<vmem_shared>>) dst(%dma_wait3A_26 : memref<640x128xf32, #tpu.memory_space<hbm>>)
      tpu.yield
    }) : () -> ()
    return
  }
}

module attributes {stable_mosaic.version = 14 : i64} {
  func.func @_embed_body(%arg0: i32, %arg1: memref<2000x16xf32, #tpu.memory_space<vmem>>, %arg2: memref<16x128xf32, #tpu.memory_space<vmem>>, %arg3: memref<2000x128xf32, #tpu.memory_space<vmem>>) attributes {dimension_semantics = [#tpu.dimension_semantics<arbitrary>], iteration_bounds = array<i64: 5>, scalar_prefetch = 0 : i64, scratch_operands = 0 : i64, tpu.core_type = #tpu.core_type<tc>, window_params = [{transform_indices = @transform_0, window_bounds = array<i64: 2000, 16>}, {pipeline_mode = #tpu.pipeline_mode<synchronous>, transform_indices = @transform_1, window_bounds = array<i64: 16, 128>}, {transform_indices = @transform_2, window_bounds = array<i64: 2000, 128>}]} {
    %get3A = arith.constant 0 : index
    %get3A_0 = arith.constant 0 : index
    %get3A_1 = vector.load %arg1[%get3A, %get3A_0] : memref<2000x16xf32, #tpu.memory_space<vmem>>, vector<2000x16xf32>
    %get3A_2 = arith.constant 0 : index
    %get3A_3 = arith.constant 0 : index
    %get3A_4 = vector.load %arg2[%get3A_2, %get3A_3] : memref<16x128xf32, #tpu.memory_space<vmem>>, vector<16x128xf32>
    %dot_general3A = arith.constant dense<0.000000e+00> : vector<2000x128xf32>
    %dot_general3A_5 = tpu.matmul %get3A_1, %get3A_4, %dot_general3A {dimension_numbers = #tpu.dot_dimension_numbers<[1], [0], [0], [1], [0, 0, 1, 1], [], []>, transpose_lhs_hint = false} : vector<2000x16xf32>, vector<16x128xf32>, vector<2000x128xf32> -> vector<2000x128xf32>
    %swap3A = arith.constant 0 : index
    %swap3A_6 = arith.constant 0 : index
    %swap3A_7 = vector.load %arg3[%swap3A, %swap3A_6] : memref<2000x128xf32, #tpu.memory_space<vmem>>, vector<2000x128xf32>
    tpu.vector_store %arg3[%swap3A, %swap3A_6], %dot_general3A_5 {strides = array<i32>} : memref<2000x128xf32, #tpu.memory_space<vmem>>, vector<2000x128xf32>,
    return
  }
  func.func @transform_0(%arg0: i32) -> (i32, i32) {
    %c0_i32 = arith.constant 0 : i32
    %c0_i32_0 = arith.constant 0 : i32
    return %arg0, %c0_i32 : i32, i32
  }
  func.func @transform_1(%arg0: i32) -> (i32, i32) {
    %c0_i32 = arith.constant 0 : i32
    %c0_i32_0 = arith.constant 0 : i32
    %c0_i32_1 = arith.constant 0 : i32
    return %c0_i32, %c0_i32_0 : i32, i32
  }
  func.func @transform_2(%arg0: i32) -> (i32, i32) {
    %c0_i32 = arith.constant 0 : i32
    %c0_i32_0 = arith.constant 0 : i32
    return %arg0, %c0_i32 : i32, i32
  }
}

module attributes {stable_mosaic.version = 14 : i64} {
  func.func @_mlp1_body(%arg0: i32, %arg1: memref<1xf32, #tpu.memory_space<smem>>, %arg2: memref<2000x128xf32, #tpu.memory_space<vmem>>, %arg3: memref<2x2000x128xf32, #tpu.memory_space<vmem>>, %arg4: memref<128x256xf32, #tpu.memory_space<vmem>>, %arg5: memref<1x256xf32, #tpu.memory_space<vmem>>, %arg6: memref<2000x256xf32, #tpu.memory_space<vmem>>, %arg7: memref<1x256xf32, #tpu.memory_space<vmem>>, %arg8: memref<1x256xf32, #tpu.memory_space<vmem>>) attributes {dimension_semantics = [#tpu.dimension_semantics<arbitrary>], iteration_bounds = array<i64: 5>, scalar_prefetch = 0 : i64, scratch_operands = 0 : i64, tpu.core_type = #tpu.core_type<tc>, window_params = [{transform_indices = @transform_0, window_bounds = array<i64: 1>}, {transform_indices = @transform_1, window_bounds = array<i64: 2000, 128>}, {transform_indices = @transform_2, window_bounds = array<i64: 2, 2000, 128>}, {pipeline_mode = #tpu.pipeline_mode<synchronous>, transform_indices = @transform_3, window_bounds = array<i64: 128, 256>}, {pipeline_mode = #tpu.pipeline_mode<synchronous>, transform_indices = @transform_4, window_bounds = array<i64: 1, 256>}, {transform_indices = @transform_5, window_bounds = array<i64: 2000, 256>}, {pipeline_mode = #tpu.pipeline_mode<synchronous>, transform_indices = @transform_6, window_bounds = array<i64: 1, 256>}, {pipeline_mode = #tpu.pipeline_mode<synchronous>, transform_indices = @transform_7, window_bounds = array<i64: 1, 256>}]} {
    %get3A = arith.constant 0 : index
    %get3A_0 = arith.constant 0 : index
    %get3A_1 = vector.load %arg2[%get3A, %get3A_0] : memref<2000x128xf32, #tpu.memory_space<vmem>>, vector<2000x128xf32>
    %get3A_2 = arith.constant 0 : index
    %get3A_3 = memref.load %arg1[%get3A_2] : memref<1xf32, #tpu.memory_space<smem>>
    %add3A = arith.constant 1.000000e+00 : f32
    %add3A_4 = arith.addf %add3A, %get3A_3 : f32
    %mul3A = vector.broadcast %add3A_4 : f32 to vector<2000x128xf32>
    %mul3A_5 = arith.mulf %get3A_1, %mul3A : vector<2000x128xf32>
    %get3A_6 = arith.constant 0 : index
    %get3A_7 = arith.constant 0 : index
    %get3A_8 = arith.constant 0 : index
    %get3A_9 = vector.load %arg3[%get3A_6, %get3A_7, %get3A_8] : memref<2x2000x128xf32, #tpu.memory_space<vmem>>, vector<1x2000x128xf32>
    %get3A_10 = vector.shape_cast %get3A_9 : vector<1x2000x128xf32> to vector<2000x128xf32>
    %add3A_11 = arith.addf %mul3A_5, %get3A_10 : vector<2000x128xf32>
    %get3A_12 = arith.constant 1 : index
    %get3A_13 = arith.constant 0 : index
    %get3A_14 = arith.constant 0 : index
    %get3A_15 = vector.load %arg3[%get3A_12, %get3A_13, %get3A_14] : memref<2x2000x128xf32, #tpu.memory_space<vmem>>, vector<1x2000x128xf32>
    %get3A_16 = vector.shape_cast %get3A_15 : vector<1x2000x128xf32> to vector<2000x128xf32>
    %add3A_17 = arith.addf %add3A_11, %get3A_16 : vector<2000x128xf32>
    %get3A_18 = arith.constant 0 : index
    %get3A_19 = arith.constant 0 : index
    %get3A_20 = vector.load %arg4[%get3A_18, %get3A_19] : memref<128x256xf32, #tpu.memory_space<vmem>>, vector<128x256xf32>
    %dot_general3A = arith.constant dense<0.000000e+00> : vector<2000x256xf32>
    %dot_general3A_21 = tpu.matmul %add3A_17, %get3A_20, %dot_general3A {dimension_numbers = #tpu.dot_dimension_numbers<[1], [0], [0], [1], [0, 0, 1, 1], [], []>, transpose_lhs_hint = false} : vector<2000x128xf32>, vector<128x256xf32>, vector<2000x256xf32> -> vector<2000x256xf32>
    %get3A_22 = arith.constant 0 : index
    %get3A_23 = arith.constant 0 : index
    %get3A_24 = vector.load %arg5[%get3A_22, %get3A_23] : memref<1x256xf32, #tpu.memory_space<vmem>>, vector<1x256xf32>
    %add3A_25 = vector.broadcast %get3A_24 : vector<1x256xf32> to vector<2000x256xf32>
    %add3A_26 = arith.addf %dot_general3A_21, %add3A_25 : vector<2000x256xf32>
    %swap3A = arith.constant 0 : index
    %swap3A_27 = arith.constant 0 : index
    %swap3A_28 = vector.load %arg6[%swap3A, %swap3A_27] : memref<2000x256xf32, #tpu.memory_space<vmem>>, vector<2000x256xf32>
    tpu.vector_store %arg6[%swap3A, %swap3A_27], %add3A_26 {strides = array<i32>} : memref<2000x256xf32, #tpu.memory_space<vmem>>, vector<2000x256xf32>,
    %eq3A = arith.constant 0 : i32
    %eq3A_29 = arith.cmpi eq, %arg0, %eq3A : i32
    %convert_element_type3A = arith.extui %eq3A_29 : i1 to i32
    %cond3A = arith.constant 0 : i32
    %cond3A_30 = arith.cmpi ne, %convert_element_type3A, %cond3A : i32
    scf.if %cond3A_30 {
      %broadcast_in_dim3A_50 = arith.constant 0.000000e+00 : f32
      %broadcast_in_dim3A_51 = vector.broadcast %broadcast_in_dim3A_50 : f32 to vector<1x256xf32>
      %swap3A_52 = arith.constant 0 : index
      %swap3A_53 = arith.constant 0 : index
      %swap3A_54 = vector.load %arg7[%swap3A_52, %swap3A_53] : memref<1x256xf32, #tpu.memory_space<vmem>>, vector<1x256xf32>
      tpu.vector_store %arg7[%swap3A_52, %swap3A_53], %broadcast_in_dim3A_51 {strides = array<i32>} : memref<1x256xf32, #tpu.memory_space<vmem>>, vector<1x256xf32>,
      %broadcast_in_dim3A_55 = arith.constant 0.000000e+00 : f32
      %broadcast_in_dim3A_56 = vector.broadcast %broadcast_in_dim3A_55 : f32 to vector<1x256xf32>
      %swap3A_57 = arith.constant 0 : index
      %swap3A_58 = arith.constant 0 : index
      %swap3A_59 = vector.load %arg8[%swap3A_57, %swap3A_58] : memref<1x256xf32, #tpu.memory_space<vmem>>, vector<1x256xf32>
      tpu.vector_store %arg8[%swap3A_57, %swap3A_58], %broadcast_in_dim3A_56 {strides = array<i32>} : memref<1x256xf32, #tpu.memory_space<vmem>>, vector<1x256xf32>,
    } else {
    }
    %get3A_31 = arith.constant 0 : index
    %get3A_32 = arith.constant 0 : index
    %get3A_33 = vector.load %arg7[%get3A_31, %get3A_32] : memref<1x256xf32, #tpu.memory_space<vmem>>, vector<1x256xf32>
    %reduce_sum3A = arith.constant dense<0.000000e+00> : vector<256xf32>
    %reduce_sum3A_34 = vector.multi_reduction <add>, %add3A_26, %reduce_sum3A [0] : vector<2000x256xf32> to vector<256xf32>
    %broadcast_in_dim3A = vector.shape_cast %reduce_sum3A_34 : vector<256xf32> to vector<1x256xf32>
    %add3A_35 = arith.addf %get3A_33, %broadcast_in_dim3A : vector<1x256xf32>
    %swap3A_36 = arith.constant 0 : index
    %swap3A_37 = arith.constant 0 : index
    %swap3A_38 = vector.load %arg7[%swap3A_36, %swap3A_37] : memref<1x256xf32, #tpu.memory_space<vmem>>, vector<1x256xf32>
    tpu.vector_store %arg7[%swap3A_36, %swap3A_37], %add3A_35 {strides = array<i32>} : memref<1x256xf32, #tpu.memory_space<vmem>>, vector<1x256xf32>,
    %get3A_39 = arith.constant 0 : index
    %get3A_40 = arith.constant 0 : index
    %get3A_41 = vector.load %arg8[%get3A_39, %get3A_40] : memref<1x256xf32, #tpu.memory_space<vmem>>, vector<1x256xf32>
    %mul3A_42 = arith.mulf %add3A_26, %add3A_26 : vector<2000x256xf32>
    %reduce_sum3A_43 = arith.constant dense<0.000000e+00> : vector<256xf32>
    %reduce_sum3A_44 = vector.multi_reduction <add>, %mul3A_42, %reduce_sum3A_43 [0] : vector<2000x256xf32> to vector<256xf32>
    %broadcast_in_dim3A_45 = vector.shape_cast %reduce_sum3A_44 : vector<256xf32> to vector<1x256xf32>
    %add3A_46 = arith.addf %get3A_41, %broadcast_in_dim3A_45 : vector<1x256xf32>
    %swap3A_47 = arith.constant 0 : index
    %swap3A_48 = arith.constant 0 : index
    %swap3A_49 = vector.load %arg8[%swap3A_47, %swap3A_48] : memref<1x256xf32, #tpu.memory_space<vmem>>, vector<1x256xf32>
    tpu.vector_store %arg8[%swap3A_47, %swap3A_48], %add3A_46 {strides = array<i32>} : memref<1x256xf32, #tpu.memory_space<vmem>>, vector<1x256xf32>,
    return
  }
  func.func @transform_0(%arg0: i32) -> i32 {
    %c0_i32 = arith.constant 0 : i32
    %c0_i32_0 = arith.constant 0 : i32
    return %c0_i32 : i32
  }
  func.func @transform_1(%arg0: i32) -> (i32, i32) {
    %c0_i32 = arith.constant 0 : i32
    %c0_i32_0 = arith.constant 0 : i32
    return %arg0, %c0_i32 : i32, i32
  }
  func.func @transform_2(%arg0: i32) -> (i32, i32, i32) {
    %c0_i32 = arith.constant 0 : i32
    %c0_i32_0 = arith.constant 0 : i32
    %c0_i32_1 = arith.constant 0 : i32
    return %c0_i32, %arg0, %c0_i32_0 : i32, i32, i32
  }
  func.func @transform_3(%arg0: i32) -> (i32, i32) {
    %c0_i32 = arith.constant 0 : i32
    %c0_i32_0 = arith.constant 0 : i32
    %c0_i32_1 = arith.constant 0 : i32
    return %c0_i32, %c0_i32_0 : i32, i32
  }
  func.func @transform_4(%arg0: i32) -> (i32, i32) {
    %c0_i32 = arith.constant 0 : i32
    %c0_i32_0 = arith.constant 0 : i32
    %c0_i32_1 = arith.constant 0 : i32
    return %c0_i32, %c0_i32_0 : i32, i32
  }
  func.func @transform_5(%arg0: i32) -> (i32, i32) {
    %c0_i32 = arith.constant 0 : i32
    %c0_i32_0 = arith.constant 0 : i32
    return %arg0, %c0_i32 : i32, i32
  }
  func.func @transform_6(%arg0: i32) -> (i32, i32) {
    %c0_i32 = arith.constant 0 : i32
    %c0_i32_0 = arith.constant 0 : i32
    %c0_i32_1 = arith.constant 0 : i32
    return %c0_i32, %c0_i32_0 : i32, i32
  }
  func.func @transform_7(%arg0: i32) -> (i32, i32) {
    %c0_i32 = arith.constant 0 : i32
    %c0_i32_0 = arith.constant 0 : i32
    %c0_i32_1 = arith.constant 0 : i32
    return %c0_i32, %c0_i32_0 : i32, i32
  }
}

module attributes {stable_mosaic.version = 14 : i64} {
  func.func @_mlp2_body(%arg0: i32, %arg1: memref<2000x256xf32, #tpu.memory_space<vmem>>, %arg2: memref<1x256xf32, #tpu.memory_space<vmem>>, %arg3: memref<1x256xf32, #tpu.memory_space<vmem>>, %arg4: memref<1x256xf32, #tpu.memory_space<vmem>>, %arg5: memref<1x256xf32, #tpu.memory_space<vmem>>, %arg6: memref<256x128xf32, #tpu.memory_space<vmem>>, %arg7: memref<1x128xf32, #tpu.memory_space<vmem>>, %arg8: memref<2000x128xf32, #tpu.memory_space<vmem>>, %arg9: memref<1x128xf32, #tpu.memory_space<vmem>>, %arg10: memref<1x128xf32, #tpu.memory_space<vmem>>) attributes {dimension_semantics = [#tpu.dimension_semantics<arbitrary>], iteration_bounds = array<i64: 5>, scalar_prefetch = 0 : i64, scratch_operands = 0 : i64, tpu.core_type = #tpu.core_type<tc>, window_params = [{transform_indices = @transform_0, window_bounds = array<i64: 2000, 256>}, {pipeline_mode = #tpu.pipeline_mode<synchronous>, transform_indices = @transform_1, window_bounds = array<i64: 1, 256>}, {pipeline_mode = #tpu.pipeline_mode<synchronous>, transform_indices = @transform_2, window_bounds = array<i64: 1, 256>}, {pipeline_mode = #tpu.pipeline_mode<synchronous>, transform_indices = @transform_3, window_bounds = array<i64: 1, 256>}, {pipeline_mode = #tpu.pipeline_mode<synchronous>, transform_indices = @transform_4, window_bounds = array<i64: 1, 256>}, {pipeline_mode = #tpu.pipeline_mode<synchronous>, transform_indices = @transform_5, window_bounds = array<i64: 256, 128>}, {pipeline_mode = #tpu.pipeline_mode<synchronous>, transform_indices = @transform_6, window_bounds = array<i64: 1, 128>}, {transform_indices = @transform_7, window_bounds = array<i64: 2000, 128>}, {pipeline_mode = #tpu.pipeline_mode<synchronous>, transform_indices = @transform_8, window_bounds = array<i64: 1, 128>}, {pipeline_mode = #tpu.pipeline_mode<synchronous>, transform_indices = @transform_9, window_bounds = array<i64: 1, 128>}]} {
    %get3A = arith.constant 0 : index
    %get3A_0 = arith.constant 0 : index
    %get3A_1 = vector.load %arg2[%get3A, %get3A_0] : memref<1x256xf32, #tpu.memory_space<vmem>>, vector<1x256xf32>
    %mul3A = arith.constant 9.99999974E-5 : f32
    %mul3A_2 = vector.broadcast %mul3A : f32 to vector<1x256xf32>
    %mul3A_3 = arith.mulf %get3A_1, %mul3A_2 : vector<1x256xf32>
    %get3A_4 = arith.constant 0 : index
    %get3A_5 = arith.constant 0 : index
    %get3A_6 = vector.load %arg3[%get3A_4, %get3A_5] : memref<1x256xf32, #tpu.memory_space<vmem>>, vector<1x256xf32>
    %mul3A_7 = arith.constant 9.99999974E-5 : f32
    %mul3A_8 = vector.broadcast %mul3A_7 : f32 to vector<1x256xf32>
    %mul3A_9 = arith.mulf %get3A_6, %mul3A_8 : vector<1x256xf32>
    %mul3A_10 = arith.mulf %mul3A_3, %mul3A_3 : vector<1x256xf32>
    %sub3A = arith.subf %mul3A_9, %mul3A_10 : vector<1x256xf32>
    %get3A_11 = arith.constant 0 : index
    %get3A_12 = arith.constant 0 : index
    %get3A_13 = vector.load %arg4[%get3A_11, %get3A_12] : memref<1x256xf32, #tpu.memory_space<vmem>>, vector<1x256xf32>
    %add3A = arith.constant 9.99999974E-6 : f32
    %add3A_14 = vector.broadcast %add3A : f32 to vector<1x256xf32>
    %add3A_15 = arith.addf %sub3A, %add3A_14 : vector<1x256xf32>
    %rsqrt3A = math.rsqrt %add3A_15 : vector<1x256xf32>
    %mul3A_16 = arith.mulf %get3A_13, %rsqrt3A : vector<1x256xf32>
    %get3A_17 = arith.constant 0 : index
    %get3A_18 = arith.constant 0 : index
    %get3A_19 = vector.load %arg1[%get3A_17, %get3A_18] : memref<2000x256xf32, #tpu.memory_space<vmem>>, vector<2000x256xf32>
    %sub3A_20 = vector.broadcast %mul3A_3 : vector<1x256xf32> to vector<2000x256xf32>
    %sub3A_21 = arith.subf %get3A_19, %sub3A_20 : vector<2000x256xf32>
    %mul3A_22 = vector.broadcast %mul3A_16 : vector<1x256xf32> to vector<2000x256xf32>
    %mul3A_23 = arith.mulf %sub3A_21, %mul3A_22 : vector<2000x256xf32>
    %get3A_24 = arith.constant 0 : index
    %get3A_25 = arith.constant 0 : index
    %get3A_26 = vector.load %arg5[%get3A_24, %get3A_25] : memref<1x256xf32, #tpu.memory_space<vmem>>, vector<1x256xf32>
    %add3A_27 = vector.broadcast %get3A_26 : vector<1x256xf32> to vector<2000x256xf32>
    %add3A_28 = arith.addf %mul3A_23, %add3A_27 : vector<2000x256xf32>
    %max3A = arith.constant 0.000000e+00 : f32
    %max3A_29 = vector.broadcast %max3A : f32 to vector<2000x256xf32>
    %max3A_30 = arith.maximumf %add3A_28, %max3A_29 : vector<2000x256xf32>
    %get3A_31 = arith.constant 0 : index
    %get3A_32 = arith.constant 0 : index
    %get3A_33 = vector.load %arg6[%get3A_31, %get3A_32] : memref<256x128xf32, #tpu.memory_space<vmem>>, vector<256x128xf32>
    %dot_general3A = arith.constant dense<0.000000e+00> : vector<2000x128xf32>
    %dot_general3A_34 = tpu.matmul %max3A_30, %get3A_33, %dot_general3A {dimension_numbers = #tpu.dot_dimension_numbers<[1], [0], [0], [1], [0, 0, 1, 1], [], []>, transpose_lhs_hint = false} : vector<2000x256xf32>, vector<256x128xf32>, vector<2000x128xf32> -> vector<2000x128xf32>
    %get3A_35 = arith.constant 0 : index
    %get3A_36 = arith.constant 0 : index
    %get3A_37 = vector.load %arg7[%get3A_35, %get3A_36] : memref<1x128xf32, #tpu.memory_space<vmem>>, vector<1x128xf32>
    %add3A_38 = vector.broadcast %get3A_37 : vector<1x128xf32> to vector<2000x128xf32>
    %add3A_39 = arith.addf %dot_general3A_34, %add3A_38 : vector<2000x128xf32>
    %swap3A = arith.constant 0 : index
    %swap3A_40 = arith.constant 0 : index
    %swap3A_41 = vector.load %arg8[%swap3A, %swap3A_40] : memref<2000x128xf32, #tpu.memory_space<vmem>>, vector<2000x128xf32>
    tpu.vector_store %arg8[%swap3A, %swap3A_40], %add3A_39 {strides = array<i32>} : memref<2000x128xf32, #tpu.memory_space<vmem>>, vector<2000x128xf32>,
    %eq3A = arith.constant 0 : i32
    %eq3A_42 = arith.cmpi eq, %arg0, %eq3A : i32
    %convert_element_type3A = arith.extui %eq3A_42 : i1 to i32
    %cond3A = arith.constant 0 : i32
    %cond3A_43 = arith.cmpi ne, %convert_element_type3A, %cond3A : i32
    scf.if %cond3A_43 {
      %broadcast_in_dim3A_63 = arith.constant 0.000000e+00 : f32
      %broadcast_in_dim3A_64 = vector.broadcast %broadcast_in_dim3A_63 : f32 to vector<1x128xf32>
      %swap3A_65 = arith.constant 0 : index
      %swap3A_66 = arith.constant 0 : index
      %swap3A_67 = vector.load %arg9[%swap3A_65, %swap3A_66] : memref<1x128xf32, #tpu.memory_space<vmem>>, vector<1x128xf32>
      tpu.vector_store %arg9[%swap3A_65, %swap3A_66], %broadcast_in_dim3A_64 {strides = array<i32>} : memref<1x128xf32, #tpu.memory_space<vmem>>, vector<1x128xf32>,
      %broadcast_in_dim3A_68 = arith.constant 0.000000e+00 : f32
      %broadcast_in_dim3A_69 = vector.broadcast %broadcast_in_dim3A_68 : f32 to vector<1x128xf32>
      %swap3A_70 = arith.constant 0 : index
      %swap3A_71 = arith.constant 0 : index
      %swap3A_72 = vector.load %arg10[%swap3A_70, %swap3A_71] : memref<1x128xf32, #tpu.memory_space<vmem>>, vector<1x128xf32>
      tpu.vector_store %arg10[%swap3A_70, %swap3A_71], %broadcast_in_dim3A_69 {strides = array<i32>} : memref<1x128xf32, #tpu.memory_space<vmem>>, vector<1x128xf32>,
    } else {
    }
    %get3A_44 = arith.constant 0 : index
    %get3A_45 = arith.constant 0 : index
    %get3A_46 = vector.load %arg9[%get3A_44, %get3A_45] : memref<1x128xf32, #tpu.memory_space<vmem>>, vector<1x128xf32>
    %reduce_sum3A = arith.constant dense<0.000000e+00> : vector<128xf32>
    %reduce_sum3A_47 = vector.multi_reduction <add>, %add3A_39, %reduce_sum3A [0] : vector<2000x128xf32> to vector<128xf32>
    %broadcast_in_dim3A = vector.shape_cast %reduce_sum3A_47 : vector<128xf32> to vector<1x128xf32>
    %add3A_48 = arith.addf %get3A_46, %broadcast_in_dim3A : vector<1x128xf32>
    %swap3A_49 = arith.constant 0 : index
    %swap3A_50 = arith.constant 0 : index
    %swap3A_51 = vector.load %arg9[%swap3A_49, %swap3A_50] : memref<1x128xf32, #tpu.memory_space<vmem>>, vector<1x128xf32>
    tpu.vector_store %arg9[%swap3A_49, %swap3A_50], %add3A_48 {strides = array<i32>} : memref<1x128xf32, #tpu.memory_space<vmem>>, vector<1x128xf32>,
    %get3A_52 = arith.constant 0 : index
    %get3A_53 = arith.constant 0 : index
    %get3A_54 = vector.load %arg10[%get3A_52, %get3A_53] : memref<1x128xf32, #tpu.memory_space<vmem>>, vector<1x128xf32>
    %mul3A_55 = arith.mulf %add3A_39, %add3A_39 : vector<2000x128xf32>
    %reduce_sum3A_56 = arith.constant dense<0.000000e+00> : vector<128xf32>
    %reduce_sum3A_57 = vector.multi_reduction <add>, %mul3A_55, %reduce_sum3A_56 [0] : vector<2000x128xf32> to vector<128xf32>
    %broadcast_in_dim3A_58 = vector.shape_cast %reduce_sum3A_57 : vector<128xf32> to vector<1x128xf32>
    %add3A_59 = arith.addf %get3A_54, %broadcast_in_dim3A_58 : vector<1x128xf32>
    %swap3A_60 = arith.constant 0 : index
    %swap3A_61 = arith.constant 0 : index
    %swap3A_62 = vector.load %arg10[%swap3A_60, %swap3A_61] : memref<1x128xf32, #tpu.memory_space<vmem>>, vector<1x128xf32>
    tpu.vector_store %arg10[%swap3A_60, %swap3A_61], %add3A_59 {strides = array<i32>} : memref<1x128xf32, #tpu.memory_space<vmem>>, vector<1x128xf32>,
    return
  }
  func.func @transform_0(%arg0: i32) -> (i32, i32) {
    %c0_i32 = arith.constant 0 : i32
    %c0_i32_0 = arith.constant 0 : i32
    return %arg0, %c0_i32 : i32, i32
  }
  func.func @transform_1(%arg0: i32) -> (i32, i32) {
    %c0_i32 = arith.constant 0 : i32
    %c0_i32_0 = arith.constant 0 : i32
    %c0_i32_1 = arith.constant 0 : i32
    return %c0_i32, %c0_i32_0 : i32, i32
  }
  func.func @transform_2(%arg0: i32) -> (i32, i32) {
    %c0_i32 = arith.constant 0 : i32
    %c0_i32_0 = arith.constant 0 : i32
    %c0_i32_1 = arith.constant 0 : i32
    return %c0_i32, %c0_i32_0 : i32, i32
  }
  func.func @transform_3(%arg0: i32) -> (i32, i32) {
    %c0_i32 = arith.constant 0 : i32
    %c0_i32_0 = arith.constant 0 : i32
    %c0_i32_1 = arith.constant 0 : i32
    return %c0_i32, %c0_i32_0 : i32, i32
  }
  func.func @transform_4(%arg0: i32) -> (i32, i32) {
    %c0_i32 = arith.constant 0 : i32
    %c0_i32_0 = arith.constant 0 : i32
    %c0_i32_1 = arith.constant 0 : i32
    return %c0_i32, %c0_i32_0 : i32, i32
  }
  func.func @transform_5(%arg0: i32) -> (i32, i32) {
    %c0_i32 = arith.constant 0 : i32
    %c0_i32_0 = arith.constant 0 : i32
    %c0_i32_1 = arith.constant 0 : i32
    return %c0_i32, %c0_i32_0 : i32, i32
  }
  func.func @transform_6(%arg0: i32) -> (i32, i32) {
    %c0_i32 = arith.constant 0 : i32
    %c0_i32_0 = arith.constant 0 : i32
    %c0_i32_1 = arith.constant 0 : i32
    return %c0_i32, %c0_i32_0 : i32, i32
  }
  func.func @transform_7(%arg0: i32) -> (i32, i32) {
    %c0_i32 = arith.constant 0 : i32
    %c0_i32_0 = arith.constant 0 : i32
    return %arg0, %c0_i32 : i32, i32
  }
  func.func @transform_8(%arg0: i32) -> (i32, i32) {
    %c0_i32 = arith.constant 0 : i32
    %c0_i32_0 = arith.constant 0 : i32
    %c0_i32_1 = arith.constant 0 : i32
    return %c0_i32, %c0_i32_0 : i32, i32
  }
  func.func @transform_9(%arg0: i32) -> (i32, i32) {
    %c0_i32 = arith.constant 0 : i32
    %c0_i32_0 = arith.constant 0 : i32
    %c0_i32_1 = arith.constant 0 : i32
    return %c0_i32, %c0_i32_0 : i32, i32
  }
}

module attributes {stable_mosaic.version = 14 : i64} {
  func.func @_mlp3_body(%arg0: i32, %arg1: memref<2000x128xf32, #tpu.memory_space<vmem>>, %arg2: memref<1x128xf32, #tpu.memory_space<vmem>>, %arg3: memref<1x128xf32, #tpu.memory_space<vmem>>, %arg4: memref<1x128xf32, #tpu.memory_space<vmem>>, %arg5: memref<1x128xf32, #tpu.memory_space<vmem>>, %arg6: memref<2000x128xf32, #tpu.memory_space<vmem>>) attributes {dimension_semantics = [#tpu.dimension_semantics<arbitrary>], iteration_bounds = array<i64: 5>, scalar_prefetch = 0 : i64, scratch_operands = 0 : i64, tpu.core_type = #tpu.core_type<tc>, window_params = [{transform_indices = @transform_0, window_bounds = array<i64: 2000, 128>}, {pipeline_mode = #tpu.pipeline_mode<synchronous>, transform_indices = @transform_1, window_bounds = array<i64: 1, 128>}, {pipeline_mode = #tpu.pipeline_mode<synchronous>, transform_indices = @transform_2, window_bounds = array<i64: 1, 128>}, {pipeline_mode = #tpu.pipeline_mode<synchronous>, transform_indices = @transform_3, window_bounds = array<i64: 1, 128>}, {pipeline_mode = #tpu.pipeline_mode<synchronous>, transform_indices = @transform_4, window_bounds = array<i64: 1, 128>}, {transform_indices = @transform_5, window_bounds = array<i64: 2000, 128>}]} {
    %get3A = arith.constant 0 : index
    %get3A_0 = arith.constant 0 : index
    %get3A_1 = vector.load %arg2[%get3A, %get3A_0] : memref<1x128xf32, #tpu.memory_space<vmem>>, vector<1x128xf32>
    %mul3A = arith.constant 9.99999974E-5 : f32
    %mul3A_2 = vector.broadcast %mul3A : f32 to vector<1x128xf32>
    %mul3A_3 = arith.mulf %get3A_1, %mul3A_2 : vector<1x128xf32>
    %get3A_4 = arith.constant 0 : index
    %get3A_5 = arith.constant 0 : index
    %get3A_6 = vector.load %arg3[%get3A_4, %get3A_5] : memref<1x128xf32, #tpu.memory_space<vmem>>, vector<1x128xf32>
    %mul3A_7 = arith.constant 9.99999974E-5 : f32
    %mul3A_8 = vector.broadcast %mul3A_7 : f32 to vector<1x128xf32>
    %mul3A_9 = arith.mulf %get3A_6, %mul3A_8 : vector<1x128xf32>
    %mul3A_10 = arith.mulf %mul3A_3, %mul3A_3 : vector<1x128xf32>
    %sub3A = arith.subf %mul3A_9, %mul3A_10 : vector<1x128xf32>
    %get3A_11 = arith.constant 0 : index
    %get3A_12 = arith.constant 0 : index
    %get3A_13 = vector.load %arg4[%get3A_11, %get3A_12] : memref<1x128xf32, #tpu.memory_space<vmem>>, vector<1x128xf32>
    %add3A = arith.constant 9.99999974E-6 : f32
    %add3A_14 = vector.broadcast %add3A : f32 to vector<1x128xf32>
    %add3A_15 = arith.addf %sub3A, %add3A_14 : vector<1x128xf32>
    %rsqrt3A = math.rsqrt %add3A_15 : vector<1x128xf32>
    %mul3A_16 = arith.mulf %get3A_13, %rsqrt3A : vector<1x128xf32>
    %get3A_17 = arith.constant 0 : index
    %get3A_18 = arith.constant 0 : index
    %get3A_19 = vector.load %arg1[%get3A_17, %get3A_18] : memref<2000x128xf32, #tpu.memory_space<vmem>>, vector<2000x128xf32>
    %sub3A_20 = vector.broadcast %mul3A_3 : vector<1x128xf32> to vector<2000x128xf32>
    %sub3A_21 = arith.subf %get3A_19, %sub3A_20 : vector<2000x128xf32>
    %mul3A_22 = vector.broadcast %mul3A_16 : vector<1x128xf32> to vector<2000x128xf32>
    %mul3A_23 = arith.mulf %sub3A_21, %mul3A_22 : vector<2000x128xf32>
    %get3A_24 = arith.constant 0 : index
    %get3A_25 = arith.constant 0 : index
    %get3A_26 = vector.load %arg5[%get3A_24, %get3A_25] : memref<1x128xf32, #tpu.memory_space<vmem>>, vector<1x128xf32>
    %add3A_27 = vector.broadcast %get3A_26 : vector<1x128xf32> to vector<2000x128xf32>
    %add3A_28 = arith.addf %mul3A_23, %add3A_27 : vector<2000x128xf32>
    %max3A = arith.constant 0.000000e+00 : f32
    %max3A_29 = vector.broadcast %max3A : f32 to vector<2000x128xf32>
    %max3A_30 = arith.maximumf %add3A_28, %max3A_29 : vector<2000x128xf32>
    %swap3A = arith.constant 0 : index
    %swap3A_31 = arith.constant 0 : index
    %swap3A_32 = vector.load %arg6[%swap3A, %swap3A_31] : memref<2000x128xf32, #tpu.memory_space<vmem>>, vector<2000x128xf32>
    tpu.vector_store %arg6[%swap3A, %swap3A_31], %max3A_30 {strides = array<i32>} : memref<2000x128xf32, #tpu.memory_space<vmem>>, vector<2000x128xf32>,
    return
  }
  func.func @transform_0(%arg0: i32) -> (i32, i32) {
    %c0_i32 = arith.constant 0 : i32
    %c0_i32_0 = arith.constant 0 : i32
    return %arg0, %c0_i32 : i32, i32
  }
  func.func @transform_1(%arg0: i32) -> (i32, i32) {
    %c0_i32 = arith.constant 0 : i32
    %c0_i32_0 = arith.constant 0 : i32
    %c0_i32_1 = arith.constant 0 : i32
    return %c0_i32, %c0_i32_0 : i32, i32
  }
  func.func @transform_2(%arg0: i32) -> (i32, i32) {
    %c0_i32 = arith.constant 0 : i32
    %c0_i32_0 = arith.constant 0 : i32
    %c0_i32_1 = arith.constant 0 : i32
    return %c0_i32, %c0_i32_0 : i32, i32
  }
  func.func @transform_3(%arg0: i32) -> (i32, i32) {
    %c0_i32 = arith.constant 0 : i32
    %c0_i32_0 = arith.constant 0 : i32
    %c0_i32_1 = arith.constant 0 : i32
    return %c0_i32, %c0_i32_0 : i32, i32
  }
  func.func @transform_4(%arg0: i32) -> (i32, i32) {
    %c0_i32 = arith.constant 0 : i32
    %c0_i32_0 = arith.constant 0 : i32
    %c0_i32_1 = arith.constant 0 : i32
    return %c0_i32, %c0_i32_0 : i32, i32
  }
  func.func @transform_5(%arg0: i32) -> (i32, i32) {
    %c0_i32 = arith.constant 0 : i32
    %c0_i32_0 = arith.constant 0 : i32
    return %arg0, %c0_i32 : i32, i32
  }
}

module attributes {stable_mosaic.version = 14 : i64} {
  func.func @_pool_body(%arg0: i32, %arg1: memref<2000x128xf32, #tpu.memory_space<vmem>>, %arg2: memref<1x1x2000xi32, #tpu.memory_space<vmem>>, %arg3: memref<64x128xf32, #tpu.memory_space<vmem>>, %arg4: memref<64x128xf32, #tpu.memory_space<vmem>>, %arg5: memref<64x128xf32, #tpu.memory_space<vmem>>) attributes {dimension_semantics = [#tpu.dimension_semantics<arbitrary>], iteration_bounds = array<i64: 5>, scalar_prefetch = 0 : i64, scratch_operands = 2 : i64, tpu.core_type = #tpu.core_type<tc>, window_params = [{transform_indices = @transform_0, window_bounds = array<i64: 2000, 128>}, {transform_indices = @transform_1, window_bounds = array<i64: 1, 1, 2000>}, {pipeline_mode = #tpu.pipeline_mode<synchronous>, transform_indices = @transform_2, window_bounds = array<i64: 64, 128>}]} {
    %eq3A = arith.constant 0 : i32
    %eq3A_0 = arith.cmpi eq, %arg0, %eq3A : i32
    %convert_element_type3A = arith.extui %eq3A_0 : i1 to i32
    %cond3A = arith.constant 0 : i32
    %cond3A_1 = arith.cmpi ne, %convert_element_type3A, %cond3A : i32
    scf.if %cond3A_1 {
      %broadcast_in_dim3A_35 = arith.constant 0.000000e+00 : f32
      %broadcast_in_dim3A_36 = vector.broadcast %broadcast_in_dim3A_35 : f32 to vector<64x128xf32>
      %swap3A_37 = arith.constant 0 : index
      %swap3A_38 = arith.constant 0 : index
      %swap3A_39 = vector.load %arg4[%swap3A_37, %swap3A_38] : memref<64x128xf32, #tpu.memory_space<vmem>>, vector<64x128xf32>
      tpu.vector_store %arg4[%swap3A_37, %swap3A_38], %broadcast_in_dim3A_36 {strides = array<i32>} : memref<64x128xf32, #tpu.memory_space<vmem>>, vector<64x128xf32>,
      %broadcast_in_dim3A_40 = arith.constant 0.000000e+00 : f32
      %broadcast_in_dim3A_41 = vector.broadcast %broadcast_in_dim3A_40 : f32 to vector<64x128xf32>
      %swap3A_42 = arith.constant 0 : index
      %swap3A_43 = arith.constant 0 : index
      %swap3A_44 = vector.load %arg5[%swap3A_42, %swap3A_43] : memref<64x128xf32, #tpu.memory_space<vmem>>, vector<64x128xf32>
      tpu.vector_store %arg5[%swap3A_42, %swap3A_43], %broadcast_in_dim3A_41 {strides = array<i32>} : memref<64x128xf32, #tpu.memory_space<vmem>>, vector<64x128xf32>,
    } else {
    }
    %get3A = arith.constant 0 : index
    %get3A_2 = arith.constant 0 : index
    %get3A_3 = arith.constant 0 : index
    %get3A_4 = vector.load %arg2[%get3A, %get3A_2, %get3A_3] : memref<1x1x2000xi32, #tpu.memory_space<vmem>>, vector<1x1x2000xi32>
    %get3A_5 = vector.shape_cast %get3A_4 : vector<1x1x2000xi32> to vector<2000xi32>
    %broadcast_in_dim3A = vector.shape_cast %get3A_5 : vector<2000xi32> to vector<1x2000xi32>
    %iota3A = tpu.iota {dimensions = array<i32: 0>} : vector<64x2000xi32>
    %eq3A_6 = vector.broadcast %broadcast_in_dim3A : vector<1x2000xi32> to vector<64x2000xi32>
    %eq3A_7 = arith.cmpi eq, %eq3A_6, %iota3A : vector<64x2000xi32>
    %convert_element_type3A_8 = arith.extui %eq3A_7 : vector<64x2000xi1> to vector<64x2000xi32>
    %convert_element_type3A_9 = arith.sitofp %convert_element_type3A_8 : vector<64x2000xi32> to vector<64x2000xf32>
    %get3A_10 = arith.constant 0 : index
    %get3A_11 = arith.constant 0 : index
    %get3A_12 = vector.load %arg4[%get3A_10, %get3A_11] : memref<64x128xf32, #tpu.memory_space<vmem>>, vector<64x128xf32>
    %get3A_13 = arith.constant 0 : index
    %get3A_14 = arith.constant 0 : index
    %get3A_15 = vector.load %arg1[%get3A_13, %get3A_14] : memref<2000x128xf32, #tpu.memory_space<vmem>>, vector<2000x128xf32>
    %dot_general3A = arith.constant dense<0.000000e+00> : vector<64x128xf32>
    %dot_general3A_16 = tpu.matmul %convert_element_type3A_9, %get3A_15, %dot_general3A {dimension_numbers = #tpu.dot_dimension_numbers<[1], [0], [0], [1], [0, 0, 1, 1], [], []>, transpose_lhs_hint = false} : vector<64x2000xf32>, vector<2000x128xf32>, vector<64x128xf32> -> vector<64x128xf32>
    %add3A = arith.addf %get3A_12, %dot_general3A_16 : vector<64x128xf32>
    %swap3A = arith.constant 0 : index
    %swap3A_17 = arith.constant 0 : index
    %swap3A_18 = vector.load %arg4[%swap3A, %swap3A_17] : memref<64x128xf32, #tpu.memory_space<vmem>>, vector<64x128xf32>
    tpu.vector_store %arg4[%swap3A, %swap3A_17], %add3A {strides = array<i32>} : memref<64x128xf32, #tpu.memory_space<vmem>>, vector<64x128xf32>,
    %get3A_19 = arith.constant 0 : index
    %get3A_20 = arith.constant 0 : index
    %get3A_21 = vector.load %arg5[%get3A_19, %get3A_20] : memref<64x128xf32, #tpu.memory_space<vmem>>, vector<64x128xf32>
    %reduce_sum3A = arith.constant dense<0.000000e+00> : vector<64xf32>
    %reduce_sum3A_22 = vector.multi_reduction <add>, %convert_element_type3A_9, %reduce_sum3A [1] : vector<64x2000xf32> to vector<64xf32>
    %broadcast_in_dim3A_23 = vector.shape_cast %reduce_sum3A_22 : vector<64xf32> to vector<64x1xf32>
    %broadcast_in_dim3A_24 = vector.shape_cast %broadcast_in_dim3A_23 : vector<64x1xf32> to vector<64x1xf32>
    %broadcast_in_dim3A_25 = vector.broadcast %broadcast_in_dim3A_24 : vector<64x1xf32> to vector<64x128xf32>
    %add3A_26 = arith.addf %get3A_21, %broadcast_in_dim3A_25 : vector<64x128xf32>
    %swap3A_27 = arith.constant 0 : index
    %swap3A_28 = arith.constant 0 : index
    %swap3A_29 = vector.load %arg5[%swap3A_27, %swap3A_28] : memref<64x128xf32, #tpu.memory_space<vmem>>, vector<64x128xf32>
    tpu.vector_store %arg5[%swap3A_27, %swap3A_28], %add3A_26 {strides = array<i32>} : memref<64x128xf32, #tpu.memory_space<vmem>>, vector<64x128xf32>,
    %eq3A_30 = arith.constant 4 : i32
    %eq3A_31 = arith.cmpi eq, %arg0, %eq3A_30 : i32
    %convert_element_type3A_32 = arith.extui %eq3A_31 : i1 to i32
    %cond3A_33 = arith.constant 0 : i32
    %cond3A_34 = arith.cmpi ne, %convert_element_type3A_32, %cond3A_33 : i32
    scf.if %cond3A_34 {
      %get3A_35 = arith.constant 0 : index
      %get3A_36 = arith.constant 0 : index
      %get3A_37 = vector.load %arg4[%get3A_35, %get3A_36] : memref<64x128xf32, #tpu.memory_space<vmem>>, vector<64x128xf32>
      %get3A_38 = arith.constant 0 : index
      %get3A_39 = arith.constant 0 : index
      %get3A_40 = vector.load %arg5[%get3A_38, %get3A_39] : memref<64x128xf32, #tpu.memory_space<vmem>>, vector<64x128xf32>
      %max3A = arith.constant 1.000000e+00 : f32
      %max3A_41 = vector.broadcast %max3A : f32 to vector<64x128xf32>
      %max3A_42 = arith.maximumf %get3A_40, %max3A_41 : vector<64x128xf32>
      %div3A = arith.divf %get3A_37, %max3A_42 : vector<64x128xf32>
      %swap3A_43 = arith.constant 0 : index
      %swap3A_44 = arith.constant 0 : index
      %swap3A_45 = vector.load %arg3[%swap3A_43, %swap3A_44] : memref<64x128xf32, #tpu.memory_space<vmem>>, vector<64x128xf32>
      tpu.vector_store %arg3[%swap3A_43, %swap3A_44], %div3A {strides = array<i32>} : memref<64x128xf32, #tpu.memory_space<vmem>>, vector<64x128xf32>,
    } else {
    }
    return
  }
  func.func @transform_0(%arg0: i32) -> (i32, i32) {
    %c0_i32 = arith.constant 0 : i32
    %c0_i32_0 = arith.constant 0 : i32
    return %arg0, %c0_i32 : i32, i32
  }
  func.func @transform_1(%arg0: i32) -> (i32, i32, i32) {
    %c0_i32 = arith.constant 0 : i32
    %c0_i32_0 = arith.constant 0 : i32
    %c0_i32_1 = arith.constant 0 : i32
    return %arg0, %c0_i32, %c0_i32_0 : i32, i32, i32
  }
  func.func @transform_2(%arg0: i32) -> (i32, i32) {
    %c0_i32 = arith.constant 0 : i32
    %c0_i32_0 = arith.constant 0 : i32
    %c0_i32_1 = arith.constant 0 : i32
    return %c0_i32, %c0_i32_0 : i32, i32
  }
}

</mosaic_0001>

<sc_bundles>
// kernel: kernel.20.cloned.1.call-start
scs
__scs_entry_jumppad:
0x0: {  	(pc) =	sbr.rel $0x88, $3  }
0x1: {  	(tag) =	ssettag $0x0;
	lr =	simm.s32 $0x1  }
0x2: {  	[smem:$0x3F93] =	sst lr;
	_ =	strace $0xD0000000  }
0x3: {  	_ = 	snop  }
0x4: {  	_ = 	snop  }
0x5: {  	_ = 	snop  }
0x6: {  	_ = 	snop  }
0x7: {  	_ = 	snop  }
__scs_overlays_trampoline_lowered:
0x8: {  	[smem:$0x3FA2] =	sst s0  }
0x9: {  	[smem:$0x3FA3] =	sst s1  }
0xa: {  	[smem:$0x3FA4] =	sst s2  }
0xb: {  	[smem:$0x3FA5] =	sst s3  }
0xc: {  	[smem:$0x3FA6] =	sst s4  }
0xd: {  	[smem:$0x3FA7] =	sst s5  }
0xe: {  	[smem:$0x3FA8] =	sst s6  }
0xf: {  	[smem:$0x3FA9] =	sst s7  }
0x10: {  	[smem:$0x3FAA] =	sst s8  }
0x11: {  	[smem:$0x3FAB] =	sst s9;
	s0 =	simm.s32 @!p0 $0x0  }
0x12: {  	s1 =	sld [smem:$0x3F91];
	s0 =	simm.s32 @p0 $0x1  }
0x13: {  	[smem:$0x3FAC] =	sst s0;
	s0 =	simm.s32 @!p1 $0x0  }
0x14: {  	s2 =	sld [smem:$0x3F90];
	s0 =	simm.s32 @p1 $0x1  }
0x15: {  	[smem:$0x3FAD] =	sst s0;
	s0 =	simm.s32 @!p2 $0x0  }
0x16: {  	s3 =	sld [smem:$0x3FDB];
	s0 =	simm.s32 @p2 $0x1  }
0x17: {  	s4 =	simm.s32 $0x1BF5;
	[smem:$0x3FAF] =	sst s0  }
0x18: {  	s0 =	sld [smem:$0x3F92];
	_ =	swait.ge [sflag:s4], $0x0  }
0x19: {  	s7 =	sld [smem:$0x3F93]  }
0x1a: {  	s8 =	sadd.s32 $0xFFFFE003, lr  }
0x1b: {  	s9 =	sadd.s32 $0xFFFFFEF7, lr;
	s5 =	simm.s32 $0xFFFFFFFF;
	p2 =	slt.u32 s8, $0xFFFFF086  }
0x1c: {  	p1 =	slt.u32 s9, $0xF7A;
	s5 =	simm.s32 @!p2 $0x0  }
0x1d: {  	s5 =	simm.s32 @p1 $0x1;
	p0 =	seq.s32 s7, s2  }
0x1e: {  	s7 =	smul.u32 @!p0 $0xF7A, s2;
	p2 =	seq.s32 @!p0 s5, $0x0  }
0x1f: {  	s9 =	smul.u32 $0xF7A, s1;
	s8 =	simm.s32 @!p0 $0x1BF5;
	p2 =	por !p2, p0  }
0x20: {  	[sflag:s8] =	ssyncset.s32 @!p0 $0xFFFFF086;
	s6 =	sadd.s32 @!p0 s3, s7;
	s7 =	simm.s32 @!p0 $0x108  }
0x21: {  	s3 =	sadd.s32 s3, s9;
	s6 =	sadd.s32 @!p0 $0x88, s6;
	s7 =	simm.s32 @p2 $0x1082  }
0x22: {  	[simem:s7], [sflag:s8] =	dma.local @!p0 [hbm:s6], $0xF7A  }
0x23: {  	s9 =	sor.u32 $0xD0000000, s2;
	s6 =	simm.s32 $0x108;
	_ =	swait.ge @!p0 [sflag:s8], $0x0  }
0x24: {  	s3 =	sadd.s32 $0x88, s3;
	s6 =	simm.s32 @!p1 $0x1082;
	[sflag:s4] =	ssyncset.s32 $0xFFFFF086  }
0x25: {  	[simem:s6], [sflag:s4] =	dma.local [hbm:s3], $0xF7A  }
0x26: {  	[smem:$0x3F93] =	sst s1;
	(tag) =	ssettag s2;
	_ =	strace s9  }
0x27: {  	s1 =	sld [smem:$0x3FA3]  }
0x28: {  	s2 =	sld [smem:$0x3FA4]  }
0x29: {  	s4 =	sld [smem:$0x3FA6]  }
0x2a: {  	p0 =	seq.s32 s5, $0x0;
	s5 =	sld [smem:$0x3FA7]  }
0x2b: {  	s6 =	sld [smem:$0x3FA8]  }
0x2c: {  	s7 =	sld [smem:$0x3FA9]  }
0x2d: {  	s3 =	simm.s32 $0x108;
	s8 =	sld [smem:$0x3FAA]  }
0x2e: {  	s3 =	simm.s32 @!p0 $0x1082;
	s9 =	sld [smem:$0x3FAB]  }
0x2f: {  	lr =	sadd.s32 s0, s3;
	s0 =	sld [smem:$0x3FA2]  }
0x30: {  	s3 =	sld [smem:$0x3FA5]  }
0x31: {  	[smem:$0x3FAE] =	sst s10  }
0x32: {  	s10 =	sld [smem:$0x3FAC];
	_ =	sdelay $0x3  }
0x33: {  	p0 =	seq.s32 s10, $0x1;
	s10 =	sld [smem:$0x3FAE];
	_ =	sdelay $0x3  }
0x34: {  	[smem:$0x3FAE] =	sst s10  }
0x35: {  	s10 =	sld [smem:$0x3FAD];
	_ =	sdelay $0x3  }
0x36: {  	p1 =	seq.s32 s10, $0x1;
	s10 =	sld [smem:$0x3FAE];
	_ =	sdelay $0x3  }
0x37: {  	[smem:$0x3FAE] =	sst s10  }
0x38: {  	s10 =	sld [smem:$0x3FAF]  }
0x39: {  	_ = 	snop;
	(pc) =	sbr.ind lr, $3  }
0x3a: {  	_ = 	snop  }
0x3b: {  	_ = 	snop  }
0x3c: {  	p2 =	seq.s32 s10, $0x1;
	s10 =	sld [smem:$0x3FAE]  }
0x3d: {  	_ =	shalt  }
0x3e: {  	_ =	shalt  }
0x3f: {  	_ =	shalt  }
0x40: {  	_ =	shalt  }
0x41: {  	_ =	shalt  }
0x42: {  	_ =	shalt  }
0x43: {  	_ =	shalt  }
0x44: {  	_ =	shalt  }
0x45: {  	_ =	shalt  }
0x46: {  	_ =	shalt  }
0x47: {  	_ =	shalt  }
0x48: {  	_ =	shalt  }
0x49: {  	_ =	shalt  }
0x4a: {  	_ =	shalt  }
0x4b: {  	_ =	shalt  }
0x4c: {  	_ =	shalt  }
0x4d: {  	_ =	shalt  }
0x4e: {  	_ =	shalt  }
0x4f: {  	_ =	shalt  }
0x50: {  	_ =	shalt  }
0x51: {  	_ =	shalt  }
0x52: {  	_ =	shalt  }
0x53: {  	_ =	shalt  }
0x54: {  	_ =	shalt  }
0x55: {  	_ =	shalt  }
0x56: {  	_ =	shalt  }
0x57: {  	_ =	shalt  }
0x58: {  	_ =	shalt  }
0x59: {  	_ =	shalt  }
0x5a: {  	_ =	shalt  }
0x5b: {  	_ =	shalt  }
0x5c: {  	_ =	shalt  }
0x5d: {  	_ =	shalt  }
0x5e: {  	_ =	shalt  }
0x5f: {  	_ =	shalt  }
0x60: {  	_ =	shalt  }
0x61: {  	_ =	shalt  }
0x62: {  	_ =	shalt  }
0x63: {  	_ =	shalt  }
0x64: {  	_ =	shalt  }
0x65: {  	_ =	shalt  }
0x66: {  	_ =	shalt  }
0x67: {  	_ =	shalt  }
0x68: {  	_ =	shalt  }
0x69: {  	_ =	shalt  }
0x6a: {  	_ =	shalt  }
0x6b: {  	_ =	shalt  }
0x6c: {  	_ =	shalt  }
0x6d: {  	_ =	shalt  }
0x6e: {  	_ =	shalt  }
0x6f: {  	_ =	shalt  }
0x70: {  	_ =	shalt  }
0x71: {  	_ =	shalt  }
0x72: {  	_ =	shalt  }
0x73: {  	_ =	shalt  }
0x74: {  	_ =	shalt  }
0x75: {  	_ =	shalt  }
0x76: {  	_ =	shalt  }
0x77: {  	_ =	shalt  }
0x78: {  	_ =	shalt  }
0x79: {  	_ =	shalt  }
0x7a: {  	_ =	shalt  }
0x7b: {  	_ =	shalt  }
0x7c: {  	_ =	shalt  }
0x7d: {  	_ =	shalt  }
0x7e: {  	_ =	shalt  }
0x7f: {  	_ =	shalt  }
0x80: {  	_ =	shalt  }
0x81: {  	_ =	shalt  }
0x82: {  	_ =	shalt  }
0x83: {  	_ =	shalt  }
0x84: {  	_ =	shalt  }
0x85: {  	_ =	shalt  }
0x86: {  	_ =	shalt  }
0x87: {  	_ =	shalt  }
.Lfunc_end0:
.L_simem_size_0:
called_computation_lowered:
.L_overlay_start_0:
0x88: {  	s2 =	sld [smem:$0x3FD9]  }
0x89: {  	s3 =	sld [smem:$0x3FFE];
	_ =	sdelay $0x1  }
0x8a: {  	s1 =	srdreg.scid  }
0x8b: {  	s0 =	sand.u32 $0x1, s1  }
0x8c: {  	s16 =	sshll.u32 s0, $0xA;
	s2 =	sadd.s32 s3, s2  }
0x8d: {  	s2 =	sadd.s32 s2, s16  }
0x8e: {  	[smem:$0x3FBA] =	sst s2  }
0x8f: {  	_ = 	snop  }
0x90: {  	(tm) =	ssettm $0x1  }
0x91: {  	s17 =	sld [smem:$0x3FFB];
	_ =	sdelay $0x3  }
0x92: {  	_ =	strace s17  }
0x93: {  	s2 =	sld [smem:$0x3FFC];
	_ =	sdelay $0x3  }
0x94: {  	_ =	strace s2  }
0x95: {  	s2 =	sld [smem:$0x3FFD];
	_ =	sdelay $0x3  }
0x96: {  	_ =	strace s2  }
0x97: {  	_ =	strace $0x8FFFFFFF  }
0x98: {  	s18 =	sld [smem:$0x3FDB];
	_ =	sdelay $0x1  }
0x99: {  	s19 =	simm.s32 $_scs_section_size  }
0x9a: {  	s4 =	simm.s32 $_size__tile_overlayer_lowered;
	s5 =	simm.s32 $_tile_overlayer_lowered  }
0x9b: {  	s22 =	simm.s32 $0x1BFF;
	s21 =	sshll.u32 s5, $0x1;
	s2 =	sadd.s32 s19, s18  }
0x9c: {  	s6 =	simm.s32 $0x0;
	s20 =	sshll.u32 s4, $0x1;
	s4 =	sadd.s32 s21, s2  }
0x9d: {  	[timem:s6], [sflag:s22] =	dma.local [hbm:s4], s20  }
0x9e: {  	_ =	swait.ge [sflag:s22], s20  }
0x9f: {  	s3 =	ssub.s32 $0x0, s20;
	[sflag:s22] =	ssyncset.done $0x0  }
0xa0: {  	[sflag:s22] =	ssyncadd.s32 s3;
	_ =	sdelay $0x1  }
0xa1: {  	s23 =	simm.s32 $0x1B8B  }
0xa2: {  	_ =	swait.ge [sflag:s23], $0x1  }
0xa3: {  	[sflag:s23] =	ssyncset.done $0x0  }
0xa4: {  	s25 =	simm.s32 $0x1B8E;
	s24 =	sld [smem:$0x3FFE];
	[sflag:s23] =	ssyncadd.s32 $0xFFFFFFFF  }
0xa5: {  	s26 =	simm.s32 $execute0_lowered;
	[smem:$0x3FD2] =	sst s25  }
0xa6: {  	s4 =	sshll.u32 s26, $0x1;
	_ =	strace $0x80000046;
	[dreg:$0x1] =	wrdreg $0xFFFFFFFF  }
0xa7: {  	s28 =	simm.s32 $_size_execute0_lowered;
	s2 =	sadd.s32 s2, s4;
	[dreg:$0x0] =	wrdreg $0x0  }
0xa8: {  	s4 =	sshll.u32 s28, $0x1;
	[dreg:$0x2] =	wrdreg s2  }
0xa9: {  	[dreg:$0x3] =	wrdreg s4  }
0xaa: {  	[dreg:$0x4] =	wrdreg $0xC0  }
0xab: {  	_ =	task [dreg:s6], $0x5FFFF  }
0xac: {  	[dreg:$0x1] =	wrdreg $0xFFFFFFFF  }
0xad: {  	[dreg:$0x0] =	wrdreg $0x60  }
0xae: {  	[dreg:$0x2] =	wrdreg s24  }
0xaf: {  	[dreg:$0x3] =	wrdreg $0x90000  }
0xb0: {  	[dreg:$0x4] =	wrdreg $0x9  }
0xb1: {  	_ =	task.clear_ibuf [dreg:s6], $0x5FFFF;
	_ =	strace $0x90000046  }
0xb2: {  	s29 =	simm.s32 $0x9;
	_ =	strace $0x80000048  }
0xb3: {  	_ =	swait.ge [sflag:s29], $0x1  }
0xb4: {  	[sflag:s29] =	ssyncadd.s32 $0xFFFFFFFF  }
0xb5: {  	_ =	strace $0x90000048  }
0xb6: {  	_ =	sfence  }
0xb7: {  	s30 =	sld [smem:$0x0];
	_ =	sdelay $0x2  }
0xb8: {  	s31 =	sshll.u32 s1, $0xD;
	s1 =	sshrl.u32 s1, $0x2  }
0xb9: {  	s3 =	sand.u32 $0x4000, s31;
	s1 =	sadd.s32 s1, s30  }
0xba: {  	s0 =	sor.u32 s3, s0;
	s1 =	sshll.u32 s1, $0x11  }
0xbb: {  	s0 =	sor.u32 s1, s0  }
0xbc: {  	s0 =	sadd.s32 $0x8F2B, s0  }
0xbd: {  	[sflag:s0] =	ssyncadd.remote.s32 $0x1  }
0xbe: {  	_ =	sfence.sel $0xFFFF  }
0xbf: {  	[dreg:$0x0] =	wrdreg $0xFFFFFFFF;
	(pc) =	sbr.abs _section_cstart, $3  }
0xc0: {  	[dreg:$0x1] =	wrdreg $0xFFFFFFFF  }
0xc1: {  	_ =	task.clear_ibuf [dreg:s6], $0x2FFFF;
	_ =	strace $0x9FFFFFFF  }
0xc2: {  	(tm) =	ssettm $0x7FFFFFFF  }
0xc3: {  	_ =	shalt  }
tec
execute0_lowered:
.L_overlay_start_1:
0x0: {  	(tag) =	ssettag $0x1  }
0x1: {  	s7 =	rddreg [dreg:$0x0]  }
0x2: {  	s0 =	srdreg.scid;
	s2 =	rddreg [dreg:$0x1];
	s3 =	simm.s32 $0x0  }
0x3: {  	s15 =	simm.s32 $0x5000;
	s16 =	simm.s32 $0x2;
	s17 =	simm.s32 $0x2800  }
0x4: {  	s18 =	simm.s32 $0x80;
	s19 =	simm.s32 $0x1;
	s6 =	sand.u32 $0x1, s0  }
0x5: {  	s22 =	simm.s32 $0x0;
	s0 =	stileid.u32;
	s8 =	smul.u32 $0x140000, s6  }
0x6: {  	[smem:$0x7FF] =	sst s3;
	s4 =	sadd.s32 $0x5200, s7;
	s9 =	smul.u32 $0x14000, s0  }
0x7: {  	s1 =	sshll.u32 s6, $0x4;
	s10 =	smul.u32 $0x50000, s0;
	s29 =	ssub.s32 $0x2, s6  }
0x8: {  	s20 =	sshll.u32 s0, $0x6;
	s1 =	sor.u32 s0, s1;
	s31 =	sshrl.u32 s29, $0x1  }
0x9: {  	s20 =	sor.u32 $0x1C02, s20;
	s5 =	smul.u32 $0x500, s1;
	s1 =	rddreg [dreg:$0x2]  }
0xa: {  	_ =	strace $0x80000047;
	s8 =	sadd.s32 s9, s8;
	s30 =	sshrl.u32 s10, $0x2  }
0xb: {  	s14 =	ssub.s32 s29, s31;
	s8 =	sshrl.u32 s8, $0x3;
	s6 =	sadd.s32 s30, s2  }
0xc: {  	s14 =	smax.u32 s14, $0x1;
	s12 =	sadd.s32 s5, s7;
	s5 =	sadd.s32 $0x40400, s7  }
0xd: {  	s13 =	sadd.s32 s8, s7;
	s7 =	sadd.s32 $0x4000, s6;
	s8 =	sadd.s32 $0x8000, s6  }
0xe: {  	s9 =	sadd.s32 $0xC000, s6;
	s10 =	sadd.s32 $0x10000, s6;
	s21 =	sshrl.u32 s6, $0x3  }
0xf: {  	s11 =	sadd.s32 $0x36400, s12;
	s12 =	sadd.s32 $0x2C400, s12;
	s13 =	sadd.s32 $0x40C00, s13  }
.LBB2_1:
0x10: {  	[tilespmem:s15], [sflag:$0x2] =	stream.linear.gather [hbm4b:s5+s3], $0x4000, $0x38;
	[tilespmem:$0x1D000] =	vst v63  }
0x11: {  	_ =	swait.ge [sflag:s16], $0x4000  }
0x12: {  	[sflag:s16] =	ssyncset.done $0x0  }
0x13: {  	[sflag:s16] =	ssyncadd.s32 $0xFFFFC000  }
0x14: {  	[spmem:s6] =	stream.linear.scatter [tilespmem:s15], [sflag:$0x2], $0x4000, $0x38;
	[tilespmem:$0x1D000] =	vst v63  }
0x15: {  	_ =	swait.ge [sflag:s16], $0x4000  }
0x16: {  	[sflag:s16] =	ssyncset.done $0x0  }
0x17: {  	[sflag:s16] =	ssyncadd.s32 $0xFFFFC000  }
0x18: {  	[spmem:s7] =	stream.linear.scatter [tilespmem:s15], [sflag:$0x2], $0x4000, $0x38;
	[tilespmem:$0x1D000] =	vst v63  }
0x19: {  	_ =	swait.ge [sflag:s16], $0x4000  }
0x1a: {  	[sflag:s16] =	ssyncset.done $0x0  }
0x1b: {  	[sflag:s16] =	ssyncadd.s32 $0xFFFFC000  }
0x1c: {  	[spmem:s8] =	stream.linear.scatter [tilespmem:s15], [sflag:$0x2], $0x4000, $0x38;
	[tilespmem:$0x1D000] =	vst v63  }
0x1d: {  	_ =	swait.ge [sflag:s16], $0x4000  }
0x1e: {  	[sflag:s16] =	ssyncset.done $0x0  }
0x1f: {  	[sflag:s16] =	ssyncadd.s32 $0xFFFFC000  }
0x20: {  	[spmem:s9] =	stream.linear.scatter [tilespmem:s15], [sflag:$0x2], $0x4000, $0x38;
	[tilespmem:$0x1D000] =	vst v63  }
0x21: {  	_ =	swait.ge [sflag:s16], $0x4000  }
0x22: {  	[sflag:s16] =	ssyncset.done $0x0  }
0x23: {  	[sflag:s16] =	ssyncadd.s32 $0xFFFFC000  }
0x24: {  	[spmem:s10] =	stream.linear.scatter [tilespmem:s15], [sflag:$0x2], $0x4000, $0x38;
	[tilespmem:$0x1D000] =	vst v63  }
0x25: {  	_ =	swait.ge [sflag:s16], $0x4000  }
0x26: {  	[sflag:s16] =	ssyncset.done $0x0  }
0x27: {  	[sflag:s16] =	ssyncadd.s32 $0xFFFFC000  }
0x28: {  	[bflag:$0x0] =	sbarrier.arrive $0xFFFF  }
0x29: {  	[tilespmem:s3], [sflag:$0x2] =	stream.linear.gather [hbm4b:s11+s3], $0x2800, $0x38;
	[tilespmem:$0x1D000] =	vst v63  }
0x2a: {  	_ =	swait.ge [sflag:s16], $0x2800  }
0x2b: {  	[sflag:s16] =	ssyncset.done $0x0  }
0x2c: {  	[sflag:s16] =	ssyncadd.s32 $0xFFFFD800  }
0x2d: {  	[tilespmem:s17], [sflag:$0x2] =	stream.linear.gather [hbm4b:s12+s3], $0x2800, $0x38;
	[tilespmem:$0x1D000] =	vst v63  }
0x2e: {  	_ =	swait.ge [sflag:s16], $0x2800  }
0x2f: {  	[sflag:s16] =	ssyncset.done $0x0  }
0x30: {  	s23 =	simm.s32 $0x0;
	[sflag:s16] =	ssyncadd.s32 $0xFFFFD800  }
0x31: {  	[tilespmem:s15], [sflag:$0x1] =	stream.indirect.gather [hbm4b:s4+s18], $0x80, s23, s18, $0xb8;
	[tilespmem:$0x1D000] =	vst v63  }
0x32: {  	_ =	swait.ge [sflag:s19], $0x4000  }
0x33: {  	[sflag:s19] =	ssyncset.done $0x0  }
0x34: {  	s31 =	simm.s32 $0x2800;
	[sflag:s19] =	ssyncadd.s32 $0xFFFFC000  }
0x35: {  	[spmem:s2] =	stream.indirect.scatter.add.f32 [tilespmem:s15], [sflag:$0x2], $0x80, s31, s18, $0xb8;
	[tilespmem:$0x1D000] =	vst v63  }
0x36: {  	_ =	swait.ge [sflag:s16], $0x4000  }
0x37: {  	s24 =	simm.s32 $0x400;
	s23 =	simm.s32 $0x200;
	[sflag:s16] =	ssyncset.done $0x0  }
.LBB2_2:
0x38: {  	s25 =	sshra.s32 s23, $0x2  }
0x39: {  	[sflag:s16] =	ssyncadd.s32 $0xFFFFC000;
	s23 =	smov.u32 s24;
	s26 =	sadd.s32 $0x200, s24  }
0x3a: {  	[tilespmem:s15], [sflag:$0x1] =	stream.indirect.gather [hbm4b:s4+s18], $0x80, s25, s18, $0xb8;
	[tilespmem:$0x1D000] =	vst v63  }
0x3b: {  	p0 =	sne.s32 s24, $0x9E00;
	_ =	swait.ge [sflag:s19], $0x4000  }
.Ltmp0:
0x3c: {  	[sflag:s19] =	ssyncset.done $0x0;
	(pc) =	sbr.rel @p0 .LBB2_2-.Ltmp0, $4  }
0x3d: {  	s24 =	sadd.s32 $0x2800, s25;
	[sflag:s19] =	ssyncadd.s32 $0xFFFFC000  }
0x3e: {  	[spmem:s2] =	stream.indirect.scatter.add.f32 [tilespmem:s15], [sflag:$0x2], $0x80, s24, s18, $0xb8;
	[tilespmem:$0x1D000] =	vst v63  }
0x3f: {  	_ =	swait.ge [sflag:s16], $0x4000  }
0x40: {  	s24 =	smov.u32 s26;
	[sflag:s16] =	ssyncset.done $0x0  }
0x41: {  	s23 =	sshra.s32 s23, $0x2;
	[sflag:s16] =	ssyncadd.s32 $0xFFFFC000  }
0x42: {  	[tilespmem:s15], [sflag:$0x1] =	stream.indirect.gather [hbm4b:s4+s18], $0x80, s23, s18, $0xb8;
	[tilespmem:$0x1D000] =	vst v63  }
0x43: {  	_ =	swait.ge [sflag:s19], $0x4000  }
0x44: {  	[sflag:s19] =	ssyncset.done $0x0  }
0x45: {  	s23 =	sadd.s32 $0x2800, s23;
	[sflag:s19] =	ssyncadd.s32 $0xFFFFC000  }
0x46: {  	[spmem:s2] =	stream.indirect.scatter.add.f32 [tilespmem:s15], [sflag:$0x2], $0x80, s23, s18, $0xb8;
	[tilespmem:$0x1D000] =	vst v63  }
0x47: {  	_ =	swait.ge [sflag:s16], $0x4000  }
0x48: {  	s22 =	sadd.s32 $0x1, s22;
	[sflag:s16] =	ssyncset.done $0x0  }
0x49: {  	p0 =	sne.s32 s22, s14;
	[sflag:s16] =	ssyncadd.s32 $0xFFFFC000  }
.Ltmp1:
0x4a: {  	[bflag:$0x0] =	sbarrier.arrive $0xFFFF;
	(pc) =	sbr.rel @p0 .LBB2_1-.Ltmp1, $4  }
0x4b: {  	[hbm:s13], [sflag:s20] =	dma.local [spmem:s21], $0x2800  }
0x4c: {  	_ =	swait.ge [sflag:s16], $0x2800  }
0x4d: {  	[sflag:s16] =	ssyncset.done $0x0  }
0x4e: {  	[sflag:s16] =	ssyncadd.s32 $0xFFFFD800  }
0x4f: {  	_ =	sfence.sel $0x180000  }
0x50: {  	[bflag:$0x0] =	sbarrier.arrive $0xFFFF  }
0x51: {  	p0 =	sne.s32 s0, $0x0;
	_ =	strace $0x90000047  }
0x52: {  	s0 =	sadd.s32 @!p0 $0x100000, s1;
	[bflag:$0x2] =	sbarrier.arrive $0xFFFF  }
0x53: {  	[sflag:s0] =	ssyncadd.tile.s32 @!p0 $0x1;
	_ =	shalt  }
.Lfunc_end2:
_tile_overlayer_lowered:
.L_overlay_start_2:
0x54: {  	(tag) =	ssettag $0x2  }
0x55: {  	s0 =	rddreg [dreg:$0x0];
	s2 =	stileid.u32  }
0x56: {  	s1 =	rddreg [dreg:$0x1];
	p0 =	sne.s32 s2, $0x0  }
0x57: {  	s3 =	rddreg [dreg:$0x2];
	[bflag:$0x3] =	sbarrier.arrive $0xFFFF;
	s2 =	simm.s32 @!p0 $0x1C02  }
0x58: {  	[timem:s3], [sflag:s2] =	dma.local @!p0 [hbm:s0], s1  }
0x59: {  	s0 =	simm.s32 @!p0 $0x2  }
0x5a: {  	_ =	swait.ge @!p0 [sflag:s0], s1  }
0x5b: {  	s1 =	ssub.s32 @!p0 $0x0, s1;
	[sflag:s0] =	ssyncset.done @!p0 $0x0  }
0x5c: {  	[sflag:s0] =	ssyncadd.s32 @!p0 s1  }
0x5d: {  	[bflag:$0x3] =	sbarrier.arrive $0xFFFF  }
0x5e: {  	_ =	shalt  }

// kernel: kernel.23.cloned.1.call-start
scs
__scs_entry_jumppad:
0x0: {  	(pc) =	sbr.rel $0x88, $3  }
0x1: {  	(tag) =	ssettag $0x0;
	lr =	simm.s32 $0x1  }
0x2: {  	[smem:$0x3F93] =	sst lr;
	_ =	strace $0xD0000000  }
0x3: {  	_ = 	snop  }
0x4: {  	_ = 	snop  }
0x5: {  	_ = 	snop  }
0x6: {  	_ = 	snop  }
0x7: {  	_ = 	snop  }
__scs_overlays_trampoline_lowered:
0x8: {  	[smem:$0x3FA2] =	sst s0  }
0x9: {  	[smem:$0x3FA3] =	sst s1  }
0xa: {  	[smem:$0x3FA4] =	sst s2  }
0xb: {  	[smem:$0x3FA5] =	sst s3  }
0xc: {  	[smem:$0x3FA6] =	sst s4  }
0xd: {  	[smem:$0x3FA7] =	sst s5  }
0xe: {  	[smem:$0x3FA8] =	sst s6  }
0xf: {  	[smem:$0x3FA9] =	sst s7  }
0x10: {  	[smem:$0x3FAA] =	sst s8  }
0x11: {  	[smem:$0x3FAB] =	sst s9;
	s0 =	simm.s32 @!p0 $0x0  }
0x12: {  	s1 =	sld [smem:$0x3F91];
	s0 =	simm.s32 @p0 $0x1  }
0x13: {  	[smem:$0x3FAC] =	sst s0;
	s0 =	simm.s32 @!p1 $0x0  }
0x14: {  	s2 =	sld [smem:$0x3F90];
	s0 =	simm.s32 @p1 $0x1  }
0x15: {  	[smem:$0x3FAD] =	sst s0;
	s0 =	simm.s32 @!p2 $0x0  }
0x16: {  	s3 =	sld [smem:$0x3FDB];
	s0 =	simm.s32 @p2 $0x1  }
0x17: {  	s4 =	simm.s32 $0x1BF5;
	[smem:$0x3FAF] =	sst s0  }
0x18: {  	s0 =	sld [smem:$0x3F92];
	_ =	swait.ge [sflag:s4], $0x0  }
0x19: {  	s7 =	sld [smem:$0x3F93]  }
0x1a: {  	s8 =	sadd.s32 $0xFFFFE003, lr  }
0x1b: {  	s9 =	sadd.s32 $0xFFFFFEF7, lr;
	s5 =	simm.s32 $0xFFFFFFFF;
	p2 =	slt.u32 s8, $0xFFFFF086  }
0x1c: {  	p1 =	slt.u32 s9, $0xF7A;
	s5 =	simm.s32 @!p2 $0x0  }
0x1d: {  	s5 =	simm.s32 @p1 $0x1;
	p0 =	seq.s32 s7, s2  }
0x1e: {  	s7 =	smul.u32 @!p0 $0xF7A, s2;
	p2 =	seq.s32 @!p0 s5, $0x0  }
0x1f: {  	s9 =	smul.u32 $0xF7A, s1;
	s8 =	simm.s32 @!p0 $0x1BF5;
	p2 =	por !p2, p0  }
0x20: {  	[sflag:s8] =	ssyncset.s32 @!p0 $0xFFFFF086;
	s6 =	sadd.s32 @!p0 s3, s7;
	s7 =	simm.s32 @!p0 $0x108  }
0x21: {  	s3 =	sadd.s32 s3, s9;
	s6 =	sadd.s32 @!p0 $0x88, s6;
	s7 =	simm.s32 @p2 $0x1082  }
0x22: {  	[simem:s7], [sflag:s8] =	dma.local @!p0 [hbm:s6], $0xF7A  }
0x23: {  	s9 =	sor.u32 $0xD0000000, s2;
	s6 =	simm.s32 $0x108;
	_ =	swait.ge @!p0 [sflag:s8], $0x0  }
0x24: {  	s3 =	sadd.s32 $0x88, s3;
	s6 =	simm.s32 @!p1 $0x1082;
	[sflag:s4] =	ssyncset.s32 $0xFFFFF086  }
0x25: {  	[simem:s6], [sflag:s4] =	dma.local [hbm:s3], $0xF7A  }
0x26: {  	[smem:$0x3F93] =	sst s1;
	(tag) =	ssettag s2;
	_ =	strace s9  }
0x27: {  	s1 =	sld [smem:$0x3FA3]  }
0x28: {  	s2 =	sld [smem:$0x3FA4]  }
0x29: {  	s4 =	sld [smem:$0x3FA6]  }
0x2a: {  	p0 =	seq.s32 s5, $0x0;
	s5 =	sld [smem:$0x3FA7]  }
0x2b: {  	s6 =	sld [smem:$0x3FA8]  }
0x2c: {  	s7 =	sld [smem:$0x3FA9]  }
0x2d: {  	s3 =	simm.s32 $0x108;
	s8 =	sld [smem:$0x3FAA]  }
0x2e: {  	s3 =	simm.s32 @!p0 $0x1082;
	s9 =	sld [smem:$0x3FAB]  }
0x2f: {  	lr =	sadd.s32 s0, s3;
	s0 =	sld [smem:$0x3FA2]  }
0x30: {  	s3 =	sld [smem:$0x3FA5]  }
0x31: {  	[smem:$0x3FAE] =	sst s10  }
0x32: {  	s10 =	sld [smem:$0x3FAC];
	_ =	sdelay $0x3  }
0x33: {  	p0 =	seq.s32 s10, $0x1;
	s10 =	sld [smem:$0x3FAE];
	_ =	sdelay $0x3  }
0x34: {  	[smem:$0x3FAE] =	sst s10  }
0x35: {  	s10 =	sld [smem:$0x3FAD];
	_ =	sdelay $0x3  }
0x36: {  	p1 =	seq.s32 s10, $0x1;
	s10 =	sld [smem:$0x3FAE];
	_ =	sdelay $0x3  }
0x37: {  	[smem:$0x3FAE] =	sst s10  }
0x38: {  	s10 =	sld [smem:$0x3FAF]  }
0x39: {  	_ = 	snop;
	(pc) =	sbr.ind lr, $3  }
0x3a: {  	_ = 	snop  }
0x3b: {  	_ = 	snop  }
0x3c: {  	p2 =	seq.s32 s10, $0x1;
	s10 =	sld [smem:$0x3FAE]  }
0x3d: {  	_ =	shalt  }
0x3e: {  	_ =	shalt  }
0x3f: {  	_ =	shalt  }
0x40: {  	_ =	shalt  }
0x41: {  	_ =	shalt  }
0x42: {  	_ =	shalt  }
0x43: {  	_ =	shalt  }
0x44: {  	_ =	shalt  }
0x45: {  	_ =	shalt  }
0x46: {  	_ =	shalt  }
0x47: {  	_ =	shalt  }
0x48: {  	_ =	shalt  }
0x49: {  	_ =	shalt  }
0x4a: {  	_ =	shalt  }
0x4b: {  	_ =	shalt  }
0x4c: {  	_ =	shalt  }
0x4d: {  	_ =	shalt  }
0x4e: {  	_ =	shalt  }
0x4f: {  	_ =	shalt  }
0x50: {  	_ =	shalt  }
0x51: {  	_ =	shalt  }
0x52: {  	_ =	shalt  }
0x53: {  	_ =	shalt  }
0x54: {  	_ =	shalt  }
0x55: {  	_ =	shalt  }
0x56: {  	_ =	shalt  }
0x57: {  	_ =	shalt  }
0x58: {  	_ =	shalt  }
0x59: {  	_ =	shalt  }
0x5a: {  	_ =	shalt  }
0x5b: {  	_ =	shalt  }
0x5c: {  	_ =	shalt  }
0x5d: {  	_ =	shalt  }
0x5e: {  	_ =	shalt  }
0x5f: {  	_ =	shalt  }
0x60: {  	_ =	shalt  }
0x61: {  	_ =	shalt  }
0x62: {  	_ =	shalt  }
0x63: {  	_ =	shalt  }
0x64: {  	_ =	shalt  }
0x65: {  	_ =	shalt  }
0x66: {  	_ =	shalt  }
0x67: {  	_ =	shalt  }
0x68: {  	_ =	shalt  }
0x69: {  	_ =	shalt  }
0x6a: {  	_ =	shalt  }
0x6b: {  	_ =	shalt  }
0x6c: {  	_ =	shalt  }
0x6d: {  	_ =	shalt  }
0x6e: {  	_ =	shalt  }
0x6f: {  	_ =	shalt  }
0x70: {  	_ =	shalt  }
0x71: {  	_ =	shalt  }
0x72: {  	_ =	shalt  }
0x73: {  	_ =	shalt  }
0x74: {  	_ =	shalt  }
0x75: {  	_ =	shalt  }
0x76: {  	_ =	shalt  }
0x77: {  	_ =	shalt  }
0x78: {  	_ =	shalt  }
0x79: {  	_ =	shalt  }
0x7a: {  	_ =	shalt  }
0x7b: {  	_ =	shalt  }
0x7c: {  	_ =	shalt  }
0x7d: {  	_ =	shalt  }
0x7e: {  	_ =	shalt  }
0x7f: {  	_ =	shalt  }
0x80: {  	_ =	shalt  }
0x81: {  	_ =	shalt  }
0x82: {  	_ =	shalt  }
0x83: {  	_ =	shalt  }
0x84: {  	_ =	shalt  }
0x85: {  	_ =	shalt  }
0x86: {  	_ =	shalt  }
0x87: {  	_ =	shalt  }
.Lfunc_end0:
.L_simem_size_0:
called_computation.1_lowered:
.L_overlay_start_0:
0x88: {  	s2 =	sld [smem:$0x3FD9]  }
0x89: {  	s3 =	sld [smem:$0x3FFE];
	_ =	sdelay $0x1  }
0x8a: {  	s1 =	srdreg.scid  }
0x8b: {  	s0 =	sand.u32 $0x1, s1  }
0x8c: {  	s16 =	sshll.u32 s0, $0xA;
	s2 =	sadd.s32 s3, s2  }
0x8d: {  	s2 =	sadd.s32 s2, s16  }
0x8e: {  	[smem:$0x3FBA] =	sst s2  }
0x8f: {  	_ = 	snop  }
0x90: {  	(tm) =	ssettm $0x1  }
0x91: {  	s17 =	sld [smem:$0x3FFB];
	_ =	sdelay $0x3  }
0x92: {  	_ =	strace s17  }
0x93: {  	s2 =	sld [smem:$0x3FFC];
	_ =	sdelay $0x3  }
0x94: {  	_ =	strace s2  }
0x95: {  	s2 =	sld [smem:$0x3FFD];
	_ =	sdelay $0x3  }
0x96: {  	_ =	strace s2  }
0x97: {  	_ =	strace $0x8FFFFFFF  }
0x98: {  	s18 =	sld [smem:$0x3FDB];
	_ =	sdelay $0x1  }
0x99: {  	s19 =	simm.s32 $_scs_section_size  }
0x9a: {  	s4 =	simm.s32 $_size__tile_overlayer_lowered;
	s5 =	simm.s32 $_tile_overlayer_lowered  }
0x9b: {  	s22 =	simm.s32 $0x1BFF;
	s21 =	sshll.u32 s5, $0x1;
	s2 =	sadd.s32 s19, s18  }
0x9c: {  	s6 =	simm.s32 $0x0;
	s20 =	sshll.u32 s4, $0x1;
	s4 =	sadd.s32 s21, s2  }
0x9d: {  	[timem:s6], [sflag:s22] =	dma.local [hbm:s4], s20  }
0x9e: {  	_ =	swait.ge [sflag:s22], s20  }
0x9f: {  	s3 =	ssub.s32 $0x0, s20;
	[sflag:s22] =	ssyncset.done $0x0  }
0xa0: {  	[sflag:s22] =	ssyncadd.s32 s3;
	_ =	sdelay $0x1  }
0xa1: {  	s23 =	simm.s32 $0x1B8B  }
0xa2: {  	_ =	swait.ge [sflag:s23], $0x1  }
0xa3: {  	[sflag:s23] =	ssyncset.done $0x0  }
0xa4: {  	s25 =	simm.s32 $0x1B8E;
	s24 =	sld [smem:$0x3FFE];
	[sflag:s23] =	ssyncadd.s32 $0xFFFFFFFF  }
0xa5: {  	s26 =	simm.s32 $execute0_lowered;
	[smem:$0x3FD2] =	sst s25  }
0xa6: {  	s4 =	sshll.u32 s26, $0x1;
	_ =	strace $0x80000049;
	[dreg:$0x1] =	wrdreg $0xFFFFFFFF  }
0xa7: {  	s28 =	simm.s32 $_size_execute0_lowered;
	s2 =	sadd.s32 s2, s4;
	[dreg:$0x0] =	wrdreg $0x0  }
0xa8: {  	s4 =	sshll.u32 s28, $0x1;
	[dreg:$0x2] =	wrdreg s2  }
0xa9: {  	[dreg:$0x3] =	wrdreg s4  }
0xaa: {  	[dreg:$0x4] =	wrdreg $0xC0  }
0xab: {  	_ =	task [dreg:s6], $0x5FFFF  }
0xac: {  	[dreg:$0x1] =	wrdreg $0xFFFFFFFF  }
0xad: {  	[dreg:$0x0] =	wrdreg $0x60  }
0xae: {  	[dreg:$0x2] =	wrdreg s24  }
0xaf: {  	[dreg:$0x3] =	wrdreg $0x90000  }
0xb0: {  	[dreg:$0x4] =	wrdreg $0x9  }
0xb1: {  	_ =	task.clear_ibuf [dreg:s6], $0x5FFFF;
	_ =	strace $0x90000049  }
0xb2: {  	s29 =	simm.s32 $0x9;
	_ =	strace $0x8000004B  }
0xb3: {  	_ =	swait.ge [sflag:s29], $0x1  }
0xb4: {  	[sflag:s29] =	ssyncadd.s32 $0xFFFFFFFF  }
0xb5: {  	_ =	strace $0x9000004B  }
0xb6: {  	_ =	sfence  }
0xb7: {  	s30 =	sld [smem:$0x0];
	_ =	sdelay $0x2  }
0xb8: {  	s31 =	sshll.u32 s1, $0xD;
	s1 =	sshrl.u32 s1, $0x2  }
0xb9: {  	s3 =	sand.u32 $0x4000, s31;
	s1 =	sadd.s32 s1, s30  }
0xba: {  	s0 =	sor.u32 s3, s0;
	s1 =	sshll.u32 s1, $0x11  }
0xbb: {  	s0 =	sor.u32 s1, s0  }
0xbc: {  	s0 =	sadd.s32 $0x8F2B, s0  }
0xbd: {  	[sflag:s0] =	ssyncadd.remote.s32 $0x1  }
0xbe: {  	_ =	sfence.sel $0xFFFF  }
0xbf: {  	[dreg:$0x0] =	wrdreg $0xFFFFFFFF;
	(pc) =	sbr.abs _section_cstart, $3  }
0xc0: {  	[dreg:$0x1] =	wrdreg $0xFFFFFFFF  }
0xc1: {  	_ =	task.clear_ibuf [dreg:s6], $0x2FFFF;
	_ =	strace $0x9FFFFFFF  }
0xc2: {  	(tm) =	ssettm $0x7FFFFFFF  }
0xc3: {  	_ =	shalt  }
tec
execute0_lowered:
.L_overlay_start_1:
0x0: {  	(tag) =	ssettag $0x1  }
0x1: {  	s7 =	rddreg [dreg:$0x0]  }
0x2: {  	s0 =	srdreg.scid;
	s2 =	rddreg [dreg:$0x1];
	s3 =	simm.s32 $0x0  }
0x3: {  	s15 =	simm.s32 $0x5000;
	s16 =	simm.s32 $0x2;
	s17 =	simm.s32 $0x2800  }
0x4: {  	s18 =	simm.s32 $0x80;
	s19 =	simm.s32 $0x1;
	s6 =	sand.u32 $0x1, s0  }
0x5: {  	s22 =	simm.s32 $0x0;
	s0 =	stileid.u32;
	s8 =	smul.u32 $0x140000, s6  }
0x6: {  	[smem:$0x7FF] =	sst s3;
	s4 =	sadd.s32 $0x5200, s7;
	s9 =	smul.u32 $0x14000, s0  }
0x7: {  	s1 =	sshll.u32 s6, $0x4;
	s10 =	smul.u32 $0x50000, s0;
	s29 =	ssub.s32 $0x2, s6  }
0x8: {  	s20 =	sshll.u32 s0, $0x6;
	s1 =	sor.u32 s0, s1;
	s31 =	sshrl.u32 s29, $0x1  }
0x9: {  	s20 =	sor.u32 $0x1C02, s20;
	s5 =	smul.u32 $0x500, s1;
	s1 =	rddreg [dreg:$0x2]  }
0xa: {  	_ =	strace $0x8000004A;
	s8 =	sadd.s32 s9, s8;
	s30 =	sshrl.u32 s10, $0x2  }
0xb: {  	s14 =	ssub.s32 s29, s31;
	s8 =	sshrl.u32 s8, $0x3;
	s6 =	sadd.s32 s30, s2  }
0xc: {  	s14 =	smax.u32 s14, $0x1;
	s12 =	sadd.s32 s5, s7;
	s5 =	sadd.s32 $0x40400, s7  }
0xd: {  	s13 =	sadd.s32 s8, s7;
	s7 =	sadd.s32 $0x4000, s6;
	s8 =	sadd.s32 $0x8000, s6  }
0xe: {  	s9 =	sadd.s32 $0xC000, s6;
	s10 =	sadd.s32 $0x10000, s6;
	s21 =	sshrl.u32 s6, $0x3  }
0xf: {  	s11 =	sadd.s32 $0x36400, s12;
	s12 =	sadd.s32 $0x2C400, s12;
	s13 =	sadd.s32 $0x40C00, s13  }
.LBB2_1:
0x10: {  	[tilespmem:s15], [sflag:$0x2] =	stream.linear.gather [hbm4b:s5+s3], $0x4000, $0x38;
	[tilespmem:$0x1D000] =	vst v63  }
0x11: {  	_ =	swait.ge [sflag:s16], $0x4000  }
0x12: {  	[sflag:s16] =	ssyncset.done $0x0  }
0x13: {  	[sflag:s16] =	ssyncadd.s32 $0xFFFFC000  }
0x14: {  	[spmem:s6] =	stream.linear.scatter [tilespmem:s15], [sflag:$0x2], $0x4000, $0x38;
	[tilespmem:$0x1D000] =	vst v63  }
0x15: {  	_ =	swait.ge [sflag:s16], $0x4000  }
0x16: {  	[sflag:s16] =	ssyncset.done $0x0  }
0x17: {  	[sflag:s16] =	ssyncadd.s32 $0xFFFFC000  }
0x18: {  	[spmem:s7] =	stream.linear.scatter [tilespmem:s15], [sflag:$0x2], $0x4000, $0x38;
	[tilespmem:$0x1D000] =	vst v63  }
0x19: {  	_ =	swait.ge [sflag:s16], $0x4000  }
0x1a: {  	[sflag:s16] =	ssyncset.done $0x0  }
0x1b: {  	[sflag:s16] =	ssyncadd.s32 $0xFFFFC000  }
0x1c: {  	[spmem:s8] =	stream.linear.scatter [tilespmem:s15], [sflag:$0x2], $0x4000, $0x38;
	[tilespmem:$0x1D000] =	vst v63  }
0x1d: {  	_ =	swait.ge [sflag:s16], $0x4000  }
0x1e: {  	[sflag:s16] =	ssyncset.done $0x0  }
0x1f: {  	[sflag:s16] =	ssyncadd.s32 $0xFFFFC000  }
0x20: {  	[spmem:s9] =	stream.linear.scatter [tilespmem:s15], [sflag:$0x2], $0x4000, $0x38;
	[tilespmem:$0x1D000] =	vst v63  }
0x21: {  	_ =	swait.ge [sflag:s16], $0x4000  }
0x22: {  	[sflag:s16] =	ssyncset.done $0x0  }
0x23: {  	[sflag:s16] =	ssyncadd.s32 $0xFFFFC000  }
0x24: {  	[spmem:s10] =	stream.linear.scatter [tilespmem:s15], [sflag:$0x2], $0x4000, $0x38;
	[tilespmem:$0x1D000] =	vst v63  }
0x25: {  	_ =	swait.ge [sflag:s16], $0x4000  }
0x26: {  	[sflag:s16] =	ssyncset.done $0x0  }
0x27: {  	[sflag:s16] =	ssyncadd.s32 $0xFFFFC000  }
0x28: {  	[bflag:$0x0] =	sbarrier.arrive $0xFFFF  }
0x29: {  	[tilespmem:s3], [sflag:$0x2] =	stream.linear.gather [hbm4b:s11+s3], $0x2800, $0x38;
	[tilespmem:$0x1D000] =	vst v63  }
0x2a: {  	_ =	swait.ge [sflag:s16], $0x2800  }
0x2b: {  	[sflag:s16] =	ssyncset.done $0x0  }
0x2c: {  	[sflag:s16] =	ssyncadd.s32 $0xFFFFD800  }
0x2d: {  	[tilespmem:s17], [sflag:$0x2] =	stream.linear.gather [hbm4b:s12+s3], $0x2800, $0x38;
	[tilespmem:$0x1D000] =	vst v63  }
0x2e: {  	_ =	swait.ge [sflag:s16], $0x2800  }
0x2f: {  	[sflag:s16] =	ssyncset.done $0x0  }
0x30: {  	s23 =	simm.s32 $0x0;
	[sflag:s16] =	ssyncadd.s32 $0xFFFFD800  }
0x31: {  	[tilespmem:s15], [sflag:$0x1] =	stream.indirect.gather [hbm4b:s4+s18], $0x80, s23, s18, $0xb8;
	[tilespmem:$0x1D000] =	vst v63  }
0x32: {  	_ =	swait.ge [sflag:s19], $0x4000  }
0x33: {  	[sflag:s19] =	ssyncset.done $0x0  }
0x34: {  	s31 =	simm.s32 $0x2800;
	[sflag:s19] =	ssyncadd.s32 $0xFFFFC000  }
0x35: {  	[spmem:s2] =	stream.indirect.scatter.add.f32 [tilespmem:s15], [sflag:$0x2], $0x80, s31, s18, $0xb8;
	[tilespmem:$0x1D000] =	vst v63  }
0x36: {  	_ =	swait.ge [sflag:s16], $0x4000  }
0x37: {  	s24 =	simm.s32 $0x400;
	s23 =	simm.s32 $0x200;
	[sflag:s16] =	ssyncset.done $0x0  }
.LBB2_2:
0x38: {  	s25 =	sshra.s32 s23, $0x2  }
0x39: {  	[sflag:s16] =	ssyncadd.s32 $0xFFFFC000;
	s23 =	smov.u32 s24;
	s26 =	sadd.s32 $0x200, s24  }
0x3a: {  	[tilespmem:s15], [sflag:$0x1] =	stream.indirect.gather [hbm4b:s4+s18], $0x80, s25, s18, $0xb8;
	[tilespmem:$0x1D000] =	vst v63  }
0x3b: {  	p0 =	sne.s32 s24, $0x9E00;
	_ =	swait.ge [sflag:s19], $0x4000  }
.Ltmp0:
0x3c: {  	[sflag:s19] =	ssyncset.done $0x0;
	(pc) =	sbr.rel @p0 .LBB2_2-.Ltmp0, $4  }
0x3d: {  	s24 =	sadd.s32 $0x2800, s25;
	[sflag:s19] =	ssyncadd.s32 $0xFFFFC000  }
0x3e: {  	[spmem:s2] =	stream.indirect.scatter.add.f32 [tilespmem:s15], [sflag:$0x2], $0x80, s24, s18, $0xb8;
	[tilespmem:$0x1D000] =	vst v63  }
0x3f: {  	_ =	swait.ge [sflag:s16], $0x4000  }
0x40: {  	s24 =	smov.u32 s26;
	[sflag:s16] =	ssyncset.done $0x0  }
0x41: {  	s23 =	sshra.s32 s23, $0x2;
	[sflag:s16] =	ssyncadd.s32 $0xFFFFC000  }
0x42: {  	[tilespmem:s15], [sflag:$0x1] =	stream.indirect.gather [hbm4b:s4+s18], $0x80, s23, s18, $0xb8;
	[tilespmem:$0x1D000] =	vst v63  }
0x43: {  	_ =	swait.ge [sflag:s19], $0x4000  }
0x44: {  	[sflag:s19] =	ssyncset.done $0x0  }
0x45: {  	s23 =	sadd.s32 $0x2800, s23;
	[sflag:s19] =	ssyncadd.s32 $0xFFFFC000  }
0x46: {  	[spmem:s2] =	stream.indirect.scatter.add.f32 [tilespmem:s15], [sflag:$0x2], $0x80, s23, s18, $0xb8;
	[tilespmem:$0x1D000] =	vst v63  }
0x47: {  	_ =	swait.ge [sflag:s16], $0x4000  }
0x48: {  	s22 =	sadd.s32 $0x1, s22;
	[sflag:s16] =	ssyncset.done $0x0  }
0x49: {  	p0 =	sne.s32 s22, s14;
	[sflag:s16] =	ssyncadd.s32 $0xFFFFC000  }
.Ltmp1:
0x4a: {  	[bflag:$0x0] =	sbarrier.arrive $0xFFFF;
	(pc) =	sbr.rel @p0 .LBB2_1-.Ltmp1, $4  }
0x4b: {  	[hbm:s13], [sflag:s20] =	dma.local [spmem:s21], $0x2800  }
0x4c: {  	_ =	swait.ge [sflag:s16], $0x2800  }
0x4d: {  	[sflag:s16] =	ssyncset.done $0x0  }
0x4e: {  	[sflag:s16] =	ssyncadd.s32 $0xFFFFD800  }
0x4f: {  	_ =	sfence.sel $0x180000  }
0x50: {  	[bflag:$0x0] =	sbarrier.arrive $0xFFFF  }
0x51: {  	p0 =	sne.s32 s0, $0x0;
	_ =	strace $0x9000004A  }
0x52: {  	s0 =	sadd.s32 @!p0 $0x100000, s1;
	[bflag:$0x2] =	sbarrier.arrive $0xFFFF  }
0x53: {  	[sflag:s0] =	ssyncadd.tile.s32 @!p0 $0x1;
	_ =	shalt  }
.Lfunc_end2:
_tile_overlayer_lowered:
.L_overlay_start_2:
0x54: {  	(tag) =	ssettag $0x2  }
0x55: {  	s0 =	rddreg [dreg:$0x0];
	s2 =	stileid.u32  }
0x56: {  	s1 =	rddreg [dreg:$0x1];
	p0 =	sne.s32 s2, $0x0  }
0x57: {  	s3 =	rddreg [dreg:$0x2];
	[bflag:$0x3] =	sbarrier.arrive $0xFFFF;
	s2 =	simm.s32 @!p0 $0x1C02  }
0x58: {  	[timem:s3], [sflag:s2] =	dma.local @!p0 [hbm:s0], s1  }
0x59: {  	s0 =	simm.s32 @!p0 $0x2  }
0x5a: {  	_ =	swait.ge @!p0 [sflag:s0], s1  }
0x5b: {  	s1 =	ssub.s32 @!p0 $0x0, s1;
	[sflag:s0] =	ssyncset.done @!p0 $0x0  }
0x5c: {  	[sflag:s0] =	ssyncadd.s32 @!p0 s1  }
0x5d: {  	[bflag:$0x3] =	sbarrier.arrive $0xFFFF  }
0x5e: {  	_ =	shalt  }

// kernel: kernel.26.cloned.1.call-start
scs
__scs_entry_jumppad:
0x0: {  	(pc) =	sbr.rel $0x88, $3  }
0x1: {  	(tag) =	ssettag $0x0;
	lr =	simm.s32 $0x1  }
0x2: {  	[smem:$0x3F93] =	sst lr;
	_ =	strace $0xD0000000  }
0x3: {  	_ = 	snop  }
0x4: {  	_ = 	snop  }
0x5: {  	_ = 	snop  }
0x6: {  	_ = 	snop  }
0x7: {  	_ = 	snop  }
__scs_overlays_trampoline_lowered:
0x8: {  	[smem:$0x3FA2] =	sst s0  }
0x9: {  	[smem:$0x3FA3] =	sst s1  }
0xa: {  	[smem:$0x3FA4] =	sst s2  }
0xb: {  	[smem:$0x3FA5] =	sst s3  }
0xc: {  	[smem:$0x3FA6] =	sst s4  }
0xd: {  	[smem:$0x3FA7] =	sst s5  }
0xe: {  	[smem:$0x3FA8] =	sst s6  }
0xf: {  	[smem:$0x3FA9] =	sst s7  }
0x10: {  	[smem:$0x3FAA] =	sst s8  }
0x11: {  	[smem:$0x3FAB] =	sst s9;
	s0 =	simm.s32 @!p0 $0x0  }
0x12: {  	s1 =	sld [smem:$0x3F91];
	s0 =	simm.s32 @p0 $0x1  }
0x13: {  	[smem:$0x3FAC] =	sst s0;
	s0 =	simm.s32 @!p1 $0x0  }
0x14: {  	s2 =	sld [smem:$0x3F90];
	s0 =	simm.s32 @p1 $0x1  }
0x15: {  	[smem:$0x3FAD] =	sst s0;
	s0 =	simm.s32 @!p2 $0x0  }
0x16: {  	s3 =	sld [smem:$0x3FDB];
	s0 =	simm.s32 @p2 $0x1  }
0x17: {  	s4 =	simm.s32 $0x1BF5;
	[smem:$0x3FAF] =	sst s0  }
0x18: {  	s0 =	sld [smem:$0x3F92];
	_ =	swait.ge [sflag:s4], $0x0  }
0x19: {  	s7 =	sld [smem:$0x3F93]  }
0x1a: {  	s8 =	sadd.s32 $0xFFFFE003, lr  }
0x1b: {  	s9 =	sadd.s32 $0xFFFFFEF7, lr;
	s5 =	simm.s32 $0xFFFFFFFF;
	p2 =	slt.u32 s8, $0xFFFFF086  }
0x1c: {  	p1 =	slt.u32 s9, $0xF7A;
	s5 =	simm.s32 @!p2 $0x0  }
0x1d: {  	s5 =	simm.s32 @p1 $0x1;
	p0 =	seq.s32 s7, s2  }
0x1e: {  	s7 =	smul.u32 @!p0 $0xF7A, s2;
	p2 =	seq.s32 @!p0 s5, $0x0  }
0x1f: {  	s9 =	smul.u32 $0xF7A, s1;
	s8 =	simm.s32 @!p0 $0x1BF5;
	p2 =	por !p2, p0  }
0x20: {  	[sflag:s8] =	ssyncset.s32 @!p0 $0xFFFFF086;
	s6 =	sadd.s32 @!p0 s3, s7;
	s7 =	simm.s32 @!p0 $0x108  }
0x21: {  	s3 =	sadd.s32 s3, s9;
	s6 =	sadd.s32 @!p0 $0x88, s6;
	s7 =	simm.s32 @p2 $0x1082  }
0x22: {  	[simem:s7], [sflag:s8] =	dma.local @!p0 [hbm:s6], $0xF7A  }
0x23: {  	s9 =	sor.u32 $0xD0000000, s2;
	s6 =	simm.s32 $0x108;
	_ =	swait.ge @!p0 [sflag:s8], $0x0  }
0x24: {  	s3 =	sadd.s32 $0x88, s3;
	s6 =	simm.s32 @!p1 $0x1082;
	[sflag:s4] =	ssyncset.s32 $0xFFFFF086  }
0x25: {  	[simem:s6], [sflag:s4] =	dma.local [hbm:s3], $0xF7A  }
0x26: {  	[smem:$0x3F93] =	sst s1;
	(tag) =	ssettag s2;
	_ =	strace s9  }
0x27: {  	s1 =	sld [smem:$0x3FA3]  }
0x28: {  	s2 =	sld [smem:$0x3FA4]  }
0x29: {  	s4 =	sld [smem:$0x3FA6]  }
0x2a: {  	p0 =	seq.s32 s5, $0x0;
	s5 =	sld [smem:$0x3FA7]  }
0x2b: {  	s6 =	sld [smem:$0x3FA8]  }
0x2c: {  	s7 =	sld [smem:$0x3FA9]  }
0x2d: {  	s3 =	simm.s32 $0x108;
	s8 =	sld [smem:$0x3FAA]  }
0x2e: {  	s3 =	simm.s32 @!p0 $0x1082;
	s9 =	sld [smem:$0x3FAB]  }
0x2f: {  	lr =	sadd.s32 s0, s3;
	s0 =	sld [smem:$0x3FA2]  }
0x30: {  	s3 =	sld [smem:$0x3FA5]  }
0x31: {  	[smem:$0x3FAE] =	sst s10  }
0x32: {  	s10 =	sld [smem:$0x3FAC];
	_ =	sdelay $0x3  }
0x33: {  	p0 =	seq.s32 s10, $0x1;
	s10 =	sld [smem:$0x3FAE];
	_ =	sdelay $0x3  }
0x34: {  	[smem:$0x3FAE] =	sst s10  }
0x35: {  	s10 =	sld [smem:$0x3FAD];
	_ =	sdelay $0x3  }
0x36: {  	p1 =	seq.s32 s10, $0x1;
	s10 =	sld [smem:$0x3FAE];
	_ =	sdelay $0x3  }
0x37: {  	[smem:$0x3FAE] =	sst s10  }
0x38: {  	s10 =	sld [smem:$0x3FAF]  }
0x39: {  	_ = 	snop;
	(pc) =	sbr.ind lr, $3  }
0x3a: {  	_ = 	snop  }
0x3b: {  	_ = 	snop  }
0x3c: {  	p2 =	seq.s32 s10, $0x1;
	s10 =	sld [smem:$0x3FAE]  }
0x3d: {  	_ =	shalt  }
0x3e: {  	_ =	shalt  }
0x3f: {  	_ =	shalt  }
0x40: {  	_ =	shalt  }
0x41: {  	_ =	shalt  }
0x42: {  	_ =	shalt  }
0x43: {  	_ =	shalt  }
0x44: {  	_ =	shalt  }
0x45: {  	_ =	shalt  }
0x46: {  	_ =	shalt  }
0x47: {  	_ =	shalt  }
0x48: {  	_ =	shalt  }
0x49: {  	_ =	shalt  }
0x4a: {  	_ =	shalt  }
0x4b: {  	_ =	shalt  }
0x4c: {  	_ =	shalt  }
0x4d: {  	_ =	shalt  }
0x4e: {  	_ =	shalt  }
0x4f: {  	_ =	shalt  }
0x50: {  	_ =	shalt  }
0x51: {  	_ =	shalt  }
0x52: {  	_ =	shalt  }
0x53: {  	_ =	shalt  }
0x54: {  	_ =	shalt  }
0x55: {  	_ =	shalt  }
0x56: {  	_ =	shalt  }
0x57: {  	_ =	shalt  }
0x58: {  	_ =	shalt  }
0x59: {  	_ =	shalt  }
0x5a: {  	_ =	shalt  }
0x5b: {  	_ =	shalt  }
0x5c: {  	_ =	shalt  }
0x5d: {  	_ =	shalt  }
0x5e: {  	_ =	shalt  }
0x5f: {  	_ =	shalt  }
0x60: {  	_ =	shalt  }
0x61: {  	_ =	shalt  }
0x62: {  	_ =	shalt  }
0x63: {  	_ =	shalt  }
0x64: {  	_ =	shalt  }
0x65: {  	_ =	shalt  }
0x66: {  	_ =	shalt  }
0x67: {  	_ =	shalt  }
0x68: {  	_ =	shalt  }
0x69: {  	_ =	shalt  }
0x6a: {  	_ =	shalt  }
0x6b: {  	_ =	shalt  }
0x6c: {  	_ =	shalt  }
0x6d: {  	_ =	shalt  }
0x6e: {  	_ =	shalt  }
0x6f: {  	_ =	shalt  }
0x70: {  	_ =	shalt  }
0x71: {  	_ =	shalt  }
0x72: {  	_ =	shalt  }
0x73: {  	_ =	shalt  }
0x74: {  	_ =	shalt  }
0x75: {  	_ =	shalt  }
0x76: {  	_ =	shalt  }
0x77: {  	_ =	shalt  }
0x78: {  	_ =	shalt  }
0x79: {  	_ =	shalt  }
0x7a: {  	_ =	shalt  }
0x7b: {  	_ =	shalt  }
0x7c: {  	_ =	shalt  }
0x7d: {  	_ =	shalt  }
0x7e: {  	_ =	shalt  }
0x7f: {  	_ =	shalt  }
0x80: {  	_ =	shalt  }
0x81: {  	_ =	shalt  }
0x82: {  	_ =	shalt  }
0x83: {  	_ =	shalt  }
0x84: {  	_ =	shalt  }
0x85: {  	_ =	shalt  }
0x86: {  	_ =	shalt  }
0x87: {  	_ =	shalt  }
.Lfunc_end0:
.L_simem_size_0:
called_computation.2_lowered:
.L_overlay_start_0:
0x88: {  	s2 =	sld [smem:$0x3FD9]  }
0x89: {  	s3 =	sld [smem:$0x3FFE];
	_ =	sdelay $0x1  }
0x8a: {  	s1 =	srdreg.scid  }
0x8b: {  	s0 =	sand.u32 $0x1, s1  }
0x8c: {  	s16 =	sshll.u32 s0, $0xA;
	s2 =	sadd.s32 s3, s2  }
0x8d: {  	s2 =	sadd.s32 s2, s16  }
0x8e: {  	[smem:$0x3FBA] =	sst s2  }
0x8f: {  	_ = 	snop  }
0x90: {  	(tm) =	ssettm $0x1  }
0x91: {  	s17 =	sld [smem:$0x3FFB];
	_ =	sdelay $0x3  }
0x92: {  	_ =	strace s17  }
0x93: {  	s2 =	sld [smem:$0x3FFC];
	_ =	sdelay $0x3  }
0x94: {  	_ =	strace s2  }
0x95: {  	s2 =	sld [smem:$0x3FFD];
	_ =	sdelay $0x3  }
0x96: {  	_ =	strace s2  }
0x97: {  	_ =	strace $0x8FFFFFFF  }
0x98: {  	s18 =	sld [smem:$0x3FDB];
	_ =	sdelay $0x1  }
0x99: {  	s19 =	simm.s32 $_scs_section_size  }
0x9a: {  	s4 =	simm.s32 $_size__tile_overlayer_lowered;
	s5 =	simm.s32 $_tile_overlayer_lowered  }
0x9b: {  	s22 =	simm.s32 $0x1BFF;
	s21 =	sshll.u32 s5, $0x1;
	s2 =	sadd.s32 s19, s18  }
0x9c: {  	s6 =	simm.s32 $0x0;
	s20 =	sshll.u32 s4, $0x1;
	s4 =	sadd.s32 s21, s2  }
0x9d: {  	[timem:s6], [sflag:s22] =	dma.local [hbm:s4], s20  }
0x9e: {  	_ =	swait.ge [sflag:s22], s20  }
0x9f: {  	s3 =	ssub.s32 $0x0, s20;
	[sflag:s22] =	ssyncset.done $0x0  }
0xa0: {  	[sflag:s22] =	ssyncadd.s32 s3;
	_ =	sdelay $0x1  }
0xa1: {  	s23 =	simm.s32 $0x1B8B  }
0xa2: {  	_ =	swait.ge [sflag:s23], $0x1  }
0xa3: {  	[sflag:s23] =	ssyncset.done $0x0  }
0xa4: {  	s25 =	simm.s32 $0x1B8E;
	s24 =	sld [smem:$0x3FFE];
	[sflag:s23] =	ssyncadd.s32 $0xFFFFFFFF  }
0xa5: {  	s26 =	simm.s32 $execute0_lowered;
	[smem:$0x3FD2] =	sst s25  }
0xa6: {  	s4 =	sshll.u32 s26, $0x1;
	_ =	strace $0x8000004C;
	[dreg:$0x1] =	wrdreg $0xFFFFFFFF  }
0xa7: {  	s28 =	simm.s32 $_size_execute0_lowered;
	s2 =	sadd.s32 s2, s4;
	[dreg:$0x0] =	wrdreg $0x0  }
0xa8: {  	s4 =	sshll.u32 s28, $0x1;
	[dreg:$0x2] =	wrdreg s2  }
0xa9: {  	[dreg:$0x3] =	wrdreg s4  }
0xaa: {  	[dreg:$0x4] =	wrdreg $0xC0  }
0xab: {  	_ =	task [dreg:s6], $0x5FFFF  }
0xac: {  	[dreg:$0x1] =	wrdreg $0xFFFFFFFF  }
0xad: {  	[dreg:$0x0] =	wrdreg $0x60  }
0xae: {  	[dreg:$0x2] =	wrdreg s24  }
0xaf: {  	[dreg:$0x3] =	wrdreg $0x90000  }
0xb0: {  	[dreg:$0x4] =	wrdreg $0x9  }
0xb1: {  	_ =	task.clear_ibuf [dreg:s6], $0x5FFFF;
	_ =	strace $0x9000004C  }
0xb2: {  	s29 =	simm.s32 $0x9;
	_ =	strace $0x8000004E  }
0xb3: {  	_ =	swait.ge [sflag:s29], $0x1  }
0xb4: {  	[sflag:s29] =	ssyncadd.s32 $0xFFFFFFFF  }
0xb5: {  	_ =	strace $0x9000004E  }
0xb6: {  	_ =	sfence  }
0xb7: {  	s30 =	sld [smem:$0x0];
	_ =	sdelay $0x2  }
0xb8: {  	s31 =	sshll.u32 s1, $0xD;
	s1 =	sshrl.u32 s1, $0x2  }
0xb9: {  	s3 =	sand.u32 $0x4000, s31;
	s1 =	sadd.s32 s1, s30  }
0xba: {  	s0 =	sor.u32 s3, s0;
	s1 =	sshll.u32 s1, $0x11  }
0xbb: {  	s0 =	sor.u32 s1, s0  }
0xbc: {  	s0 =	sadd.s32 $0x8F2B, s0  }
0xbd: {  	[sflag:s0] =	ssyncadd.remote.s32 $0x1  }
0xbe: {  	_ =	sfence.sel $0xFFFF  }
0xbf: {  	[dreg:$0x0] =	wrdreg $0xFFFFFFFF;
	(pc) =	sbr.abs _section_cstart, $3  }
0xc0: {  	[dreg:$0x1] =	wrdreg $0xFFFFFFFF  }
0xc1: {  	_ =	task.clear_ibuf [dreg:s6], $0x2FFFF;
	_ =	strace $0x9FFFFFFF  }
0xc2: {  	(tm) =	ssettm $0x7FFFFFFF  }
0xc3: {  	_ =	shalt  }
tec
execute0_lowered:
.L_overlay_start_1:
0x0: {  	(tag) =	ssettag $0x1  }
0x1: {  	s7 =	rddreg [dreg:$0x0]  }
0x2: {  	s0 =	srdreg.scid;
	s2 =	rddreg [dreg:$0x1];
	s3 =	simm.s32 $0x0  }
0x3: {  	s15 =	simm.s32 $0x5000;
	s16 =	simm.s32 $0x2;
	s17 =	simm.s32 $0x2800  }
0x4: {  	s18 =	simm.s32 $0x80;
	s19 =	simm.s32 $0x1;
	s6 =	sand.u32 $0x1, s0  }
0x5: {  	s22 =	simm.s32 $0x0;
	s0 =	stileid.u32;
	s8 =	smul.u32 $0x140000, s6  }
0x6: {  	[smem:$0x7FF] =	sst s3;
	s4 =	sadd.s32 $0x5200, s7;
	s9 =	smul.u32 $0x14000, s0  }
0x7: {  	s1 =	sshll.u32 s6, $0x4;
	s10 =	smul.u32 $0x50000, s0;
	s29 =	ssub.s32 $0x2, s6  }
0x8: {  	s20 =	sshll.u32 s0, $0x6;
	s1 =	sor.u32 s0, s1;
	s31 =	sshrl.u32 s29, $0x1  }
0x9: {  	s20 =	sor.u32 $0x1C02, s20;
	s5 =	smul.u32 $0x500, s1;
	s1 =	rddreg [dreg:$0x2]  }
0xa: {  	_ =	strace $0x8000004D;
	s8 =	sadd.s32 s9, s8;
	s30 =	sshrl.u32 s10, $0x2  }
0xb: {  	s14 =	ssub.s32 s29, s31;
	s8 =	sshrl.u32 s8, $0x3;
	s6 =	sadd.s32 s30, s2  }
0xc: {  	s14 =	smax.u32 s14, $0x1;
	s12 =	sadd.s32 s5, s7;
	s5 =	sadd.s32 $0x40400, s7  }
0xd: {  	s13 =	sadd.s32 s8, s7;
	s7 =	sadd.s32 $0x4000, s6;
	s8 =	sadd.s32 $0x8000, s6  }
0xe: {  	s9 =	sadd.s32 $0xC000, s6;
	s10 =	sadd.s32 $0x10000, s6;
	s21 =	sshrl.u32 s6, $0x3  }
0xf: {  	s11 =	sadd.s32 $0x36400, s12;
	s12 =	sadd.s32 $0x2C400, s12;
	s13 =	sadd.s32 $0x40C00, s13  }
.LBB2_1:
0x10: {  	[tilespmem:s15], [sflag:$0x2] =	stream.linear.gather [hbm4b:s5+s3], $0x4000, $0x38;
	[tilespmem:$0x1D000] =	vst v63  }
0x11: {  	_ =	swait.ge [sflag:s16], $0x4000  }
0x12: {  	[sflag:s16] =	ssyncset.done $0x0  }
0x13: {  	[sflag:s16] =	ssyncadd.s32 $0xFFFFC000  }
0x14: {  	[spmem:s6] =	stream.linear.scatter [tilespmem:s15], [sflag:$0x2], $0x4000, $0x38;
	[tilespmem:$0x1D000] =	vst v63  }
0x15: {  	_ =	swait.ge [sflag:s16], $0x4000  }
0x16: {  	[sflag:s16] =	ssyncset.done $0x0  }
0x17: {  	[sflag:s16] =	ssyncadd.s32 $0xFFFFC000  }
0x18: {  	[spmem:s7] =	stream.linear.scatter [tilespmem:s15], [sflag:$0x2], $0x4000, $0x38;
	[tilespmem:$0x1D000] =	vst v63  }
0x19: {  	_ =	swait.ge [sflag:s16], $0x4000  }
0x1a: {  	[sflag:s16] =	ssyncset.done $0x0  }
0x1b: {  	[sflag:s16] =	ssyncadd.s32 $0xFFFFC000  }
0x1c: {  	[spmem:s8] =	stream.linear.scatter [tilespmem:s15], [sflag:$0x2], $0x4000, $0x38;
	[tilespmem:$0x1D000] =	vst v63  }
0x1d: {  	_ =	swait.ge [sflag:s16], $0x4000  }
0x1e: {  	[sflag:s16] =	ssyncset.done $0x0  }
0x1f: {  	[sflag:s16] =	ssyncadd.s32 $0xFFFFC000  }
0x20: {  	[spmem:s9] =	stream.linear.scatter [tilespmem:s15], [sflag:$0x2], $0x4000, $0x38;
	[tilespmem:$0x1D000] =	vst v63  }
0x21: {  	_ =	swait.ge [sflag:s16], $0x4000  }
0x22: {  	[sflag:s16] =	ssyncset.done $0x0  }
0x23: {  	[sflag:s16] =	ssyncadd.s32 $0xFFFFC000  }
0x24: {  	[spmem:s10] =	stream.linear.scatter [tilespmem:s15], [sflag:$0x2], $0x4000, $0x38;
	[tilespmem:$0x1D000] =	vst v63  }
0x25: {  	_ =	swait.ge [sflag:s16], $0x4000  }
0x26: {  	[sflag:s16] =	ssyncset.done $0x0  }
0x27: {  	[sflag:s16] =	ssyncadd.s32 $0xFFFFC000  }
0x28: {  	[bflag:$0x0] =	sbarrier.arrive $0xFFFF  }
0x29: {  	[tilespmem:s3], [sflag:$0x2] =	stream.linear.gather [hbm4b:s11+s3], $0x2800, $0x38;
	[tilespmem:$0x1D000] =	vst v63  }
0x2a: {  	_ =	swait.ge [sflag:s16], $0x2800  }
0x2b: {  	[sflag:s16] =	ssyncset.done $0x0  }
0x2c: {  	[sflag:s16] =	ssyncadd.s32 $0xFFFFD800  }
0x2d: {  	[tilespmem:s17], [sflag:$0x2] =	stream.linear.gather [hbm4b:s12+s3], $0x2800, $0x38;
	[tilespmem:$0x1D000] =	vst v63  }
0x2e: {  	_ =	swait.ge [sflag:s16], $0x2800  }
0x2f: {  	[sflag:s16] =	ssyncset.done $0x0  }
0x30: {  	s23 =	simm.s32 $0x0;
	[sflag:s16] =	ssyncadd.s32 $0xFFFFD800  }
0x31: {  	[tilespmem:s15], [sflag:$0x1] =	stream.indirect.gather [hbm4b:s4+s18], $0x80, s23, s18, $0xb8;
	[tilespmem:$0x1D000] =	vst v63  }
0x32: {  	_ =	swait.ge [sflag:s19], $0x4000  }
0x33: {  	[sflag:s19] =	ssyncset.done $0x0  }
0x34: {  	s31 =	simm.s32 $0x2800;
	[sflag:s19] =	ssyncadd.s32 $0xFFFFC000  }
0x35: {  	[spmem:s2] =	stream.indirect.scatter.add.f32 [tilespmem:s15], [sflag:$0x2], $0x80, s31, s18, $0xb8;
	[tilespmem:$0x1D000] =	vst v63  }
0x36: {  	_ =	swait.ge [sflag:s16], $0x4000  }
0x37: {  	s24 =	simm.s32 $0x400;
	s23 =	simm.s32 $0x200;
	[sflag:s16] =	ssyncset.done $0x0  }
.LBB2_2:
0x38: {  	s25 =	sshra.s32 s23, $0x2  }
0x39: {  	[sflag:s16] =	ssyncadd.s32 $0xFFFFC000;
	s23 =	smov.u32 s24;
	s26 =	sadd.s32 $0x200, s24  }
0x3a: {  	[tilespmem:s15], [sflag:$0x1] =	stream.indirect.gather [hbm4b:s4+s18], $0x80, s25, s18, $0xb8;
	[tilespmem:$0x1D000] =	vst v63  }
0x3b: {  	p0 =	sne.s32 s24, $0x9E00;
	_ =	swait.ge [sflag:s19], $0x4000  }
.Ltmp0:
0x3c: {  	[sflag:s19] =	ssyncset.done $0x0;
	(pc) =	sbr.rel @p0 .LBB2_2-.Ltmp0, $4  }
0x3d: {  	s24 =	sadd.s32 $0x2800, s25;
	[sflag:s19] =	ssyncadd.s32 $0xFFFFC000  }
0x3e: {  	[spmem:s2] =	stream.indirect.scatter.add.f32 [tilespmem:s15], [sflag:$0x2], $0x80, s24, s18, $0xb8;
	[tilespmem:$0x1D000] =	vst v63  }
0x3f: {  	_ =	swait.ge [sflag:s16], $0x4000  }
0x40: {  	s24 =	smov.u32 s26;
	[sflag:s16] =	ssyncset.done $0x0  }
0x41: {  	s23 =	sshra.s32 s23, $0x2;
	[sflag:s16] =	ssyncadd.s32 $0xFFFFC000  }
0x42: {  	[tilespmem:s15], [sflag:$0x1] =	stream.indirect.gather [hbm4b:s4+s18], $0x80, s23, s18, $0xb8;
	[tilespmem:$0x1D000] =	vst v63  }
0x43: {  	_ =	swait.ge [sflag:s19], $0x4000  }
0x44: {  	[sflag:s19] =	ssyncset.done $0x0  }
0x45: {  	s23 =	sadd.s32 $0x2800, s23;
	[sflag:s19] =	ssyncadd.s32 $0xFFFFC000  }
0x46: {  	[spmem:s2] =	stream.indirect.scatter.add.f32 [tilespmem:s15], [sflag:$0x2], $0x80, s23, s18, $0xb8;
	[tilespmem:$0x1D000] =	vst v63  }
0x47: {  	_ =	swait.ge [sflag:s16], $0x4000  }
0x48: {  	s22 =	sadd.s32 $0x1, s22;
	[sflag:s16] =	ssyncset.done $0x0  }
0x49: {  	p0 =	sne.s32 s22, s14;
	[sflag:s16] =	ssyncadd.s32 $0xFFFFC000  }
.Ltmp1:
0x4a: {  	[bflag:$0x0] =	sbarrier.arrive $0xFFFF;
	(pc) =	sbr.rel @p0 .LBB2_1-.Ltmp1, $4  }
0x4b: {  	[hbm:s13], [sflag:s20] =	dma.local [spmem:s21], $0x2800  }
0x4c: {  	_ =	swait.ge [sflag:s16], $0x2800  }
0x4d: {  	[sflag:s16] =	ssyncset.done $0x0  }
0x4e: {  	[sflag:s16] =	ssyncadd.s32 $0xFFFFD800  }
0x4f: {  	_ =	sfence.sel $0x180000  }
0x50: {  	[bflag:$0x0] =	sbarrier.arrive $0xFFFF  }
0x51: {  	p0 =	sne.s32 s0, $0x0;
	_ =	strace $0x9000004D  }
0x52: {  	s0 =	sadd.s32 @!p0 $0x100000, s1;
	[bflag:$0x2] =	sbarrier.arrive $0xFFFF  }
0x53: {  	[sflag:s0] =	ssyncadd.tile.s32 @!p0 $0x1;
	_ =	shalt  }
.Lfunc_end2:
_tile_overlayer_lowered:
.L_overlay_start_2:
0x54: {  	(tag) =	ssettag $0x2  }
0x55: {  	s0 =	rddreg [dreg:$0x0];
	s2 =	stileid.u32  }
0x56: {  	s1 =	rddreg [dreg:$0x1];
	p0 =	sne.s32 s2, $0x0  }
0x57: {  	s3 =	rddreg [dreg:$0x2];
	[bflag:$0x3] =	sbarrier.arrive $0xFFFF;
	s2 =	simm.s32 @!p0 $0x1C02  }
0x58: {  	[timem:s3], [sflag:s2] =	dma.local @!p0 [hbm:s0], s1  }
0x59: {  	s0 =	simm.s32 @!p0 $0x2  }
0x5a: {  	_ =	swait.ge @!p0 [sflag:s0], s1  }
0x5b: {  	s1 =	ssub.s32 @!p0 $0x0, s1;
	[sflag:s0] =	ssyncset.done @!p0 $0x0  }
0x5c: {  	[sflag:s0] =	ssyncadd.s32 @!p0 s1  }
0x5d: {  	[bflag:$0x3] =	sbarrier.arrive $0xFFFF  }
0x5e: {  	_ =	shalt  }

// kernel: kernel.29.cloned.1.call-start
scs
__scs_entry_jumppad:
0x0: {  	(pc) =	sbr.rel $0x88, $3  }
0x1: {  	(tag) =	ssettag $0x0;
	lr =	simm.s32 $0x1  }
0x2: {  	[smem:$0x3F93] =	sst lr;
	_ =	strace $0xD0000000  }
0x3: {  	_ = 	snop  }
0x4: {  	_ = 	snop  }
0x5: {  	_ = 	snop  }
0x6: {  	_ = 	snop  }
0x7: {  	_ = 	snop  }
__scs_overlays_trampoline_lowered:
0x8: {  	[smem:$0x3FA2] =	sst s0  }
0x9: {  	[smem:$0x3FA3] =	sst s1  }
0xa: {  	[smem:$0x3FA4] =	sst s2  }
0xb: {  	[smem:$0x3FA5] =	sst s3  }
0xc: {  	[smem:$0x3FA6] =	sst s4  }
0xd: {  	[smem:$0x3FA7] =	sst s5  }
0xe: {  	[smem:$0x3FA8] =	sst s6  }
0xf: {  	[smem:$0x3FA9] =	sst s7  }
0x10: {  	[smem:$0x3FAA] =	sst s8  }
0x11: {  	[smem:$0x3FAB] =	sst s9;
	s0 =	simm.s32 @!p0 $0x0  }
0x12: {  	s1 =	sld [smem:$0x3F91];
	s0 =	simm.s32 @p0 $0x1  }
0x13: {  	[smem:$0x3FAC] =	sst s0;
	s0 =	simm.s32 @!p1 $0x0  }
0x14: {  	s2 =	sld [smem:$0x3F90];
	s0 =	simm.s32 @p1 $0x1  }
0x15: {  	[smem:$0x3FAD] =	sst s0;
	s0 =	simm.s32 @!p2 $0x0  }
0x16: {  	s3 =	sld [smem:$0x3FDB];
	s0 =	simm.s32 @p2 $0x1  }
0x17: {  	s4 =	simm.s32 $0x1BF5;
	[smem:$0x3FAF] =	sst s0  }
0x18: {  	s0 =	sld [smem:$0x3F92];
	_ =	swait.ge [sflag:s4], $0x0  }
0x19: {  	s7 =	sld [smem:$0x3F93]  }
0x1a: {  	s8 =	sadd.s32 $0xFFFFE003, lr  }
0x1b: {  	s9 =	sadd.s32 $0xFFFFFEF7, lr;
	s5 =	simm.s32 $0xFFFFFFFF;
	p2 =	slt.u32 s8, $0xFFFFF086  }
0x1c: {  	p1 =	slt.u32 s9, $0xF7A;
	s5 =	simm.s32 @!p2 $0x0  }
0x1d: {  	s5 =	simm.s32 @p1 $0x1;
	p0 =	seq.s32 s7, s2  }
0x1e: {  	s7 =	smul.u32 @!p0 $0xF7A, s2;
	p2 =	seq.s32 @!p0 s5, $0x0  }
0x1f: {  	s9 =	smul.u32 $0xF7A, s1;
	s8 =	simm.s32 @!p0 $0x1BF5;
	p2 =	por !p2, p0  }
0x20: {  	[sflag:s8] =	ssyncset.s32 @!p0 $0xFFFFF086;
	s6 =	sadd.s32 @!p0 s3, s7;
	s7 =	simm.s32 @!p0 $0x108  }
0x21: {  	s3 =	sadd.s32 s3, s9;
	s6 =	sadd.s32 @!p0 $0x88, s6;
	s7 =	simm.s32 @p2 $0x1082  }
0x22: {  	[simem:s7], [sflag:s8] =	dma.local @!p0 [hbm:s6], $0xF7A  }
0x23: {  	s9 =	sor.u32 $0xD0000000, s2;
	s6 =	simm.s32 $0x108;
	_ =	swait.ge @!p0 [sflag:s8], $0x0  }
0x24: {  	s3 =	sadd.s32 $0x88, s3;
	s6 =	simm.s32 @!p1 $0x1082;
	[sflag:s4] =	ssyncset.s32 $0xFFFFF086  }
0x25: {  	[simem:s6], [sflag:s4] =	dma.local [hbm:s3], $0xF7A  }
0x26: {  	[smem:$0x3F93] =	sst s1;
	(tag) =	ssettag s2;
	_ =	strace s9  }
0x27: {  	s1 =	sld [smem:$0x3FA3]  }
0x28: {  	s2 =	sld [smem:$0x3FA4]  }
0x29: {  	s4 =	sld [smem:$0x3FA6]  }
0x2a: {  	p0 =	seq.s32 s5, $0x0;
	s5 =	sld [smem:$0x3FA7]  }
0x2b: {  	s6 =	sld [smem:$0x3FA8]  }
0x2c: {  	s7 =	sld [smem:$0x3FA9]  }
0x2d: {  	s3 =	simm.s32 $0x108;
	s8 =	sld [smem:$0x3FAA]  }
0x2e: {  	s3 =	simm.s32 @!p0 $0x1082;
	s9 =	sld [smem:$0x3FAB]  }
0x2f: {  	lr =	sadd.s32 s0, s3;
	s0 =	sld [smem:$0x3FA2]  }
0x30: {  	s3 =	sld [smem:$0x3FA5]  }
0x31: {  	[smem:$0x3FAE] =	sst s10  }
0x32: {  	s10 =	sld [smem:$0x3FAC];
	_ =	sdelay $0x3  }
0x33: {  	p0 =	seq.s32 s10, $0x1;
	s10 =	sld [smem:$0x3FAE];
	_ =	sdelay $0x3  }
0x34: {  	[smem:$0x3FAE] =	sst s10  }
0x35: {  	s10 =	sld [smem:$0x3FAD];
	_ =	sdelay $0x3  }
0x36: {  	p1 =	seq.s32 s10, $0x1;
	s10 =	sld [smem:$0x3FAE];
	_ =	sdelay $0x3  }
0x37: {  	[smem:$0x3FAE] =	sst s10  }
0x38: {  	s10 =	sld [smem:$0x3FAF]  }
0x39: {  	_ = 	snop;
	(pc) =	sbr.ind lr, $3  }
0x3a: {  	_ = 	snop  }
0x3b: {  	_ = 	snop  }
0x3c: {  	p2 =	seq.s32 s10, $0x1;
	s10 =	sld [smem:$0x3FAE]  }
0x3d: {  	_ =	shalt  }
0x3e: {  	_ =	shalt  }
0x3f: {  	_ =	shalt  }
0x40: {  	_ =	shalt  }
0x41: {  	_ =	shalt  }
0x42: {  	_ =	shalt  }
0x43: {  	_ =	shalt  }
0x44: {  	_ =	shalt  }
0x45: {  	_ =	shalt  }
0x46: {  	_ =	shalt  }
0x47: {  	_ =	shalt  }
0x48: {  	_ =	shalt  }
0x49: {  	_ =	shalt  }
0x4a: {  	_ =	shalt  }
0x4b: {  	_ =	shalt  }
0x4c: {  	_ =	shalt  }
0x4d: {  	_ =	shalt  }
0x4e: {  	_ =	shalt  }
0x4f: {  	_ =	shalt  }
0x50: {  	_ =	shalt  }
0x51: {  	_ =	shalt  }
0x52: {  	_ =	shalt  }
0x53: {  	_ =	shalt  }
0x54: {  	_ =	shalt  }
0x55: {  	_ =	shalt  }
0x56: {  	_ =	shalt  }
0x57: {  	_ =	shalt  }
0x58: {  	_ =	shalt  }
0x59: {  	_ =	shalt  }
0x5a: {  	_ =	shalt  }
0x5b: {  	_ =	shalt  }
0x5c: {  	_ =	shalt  }
0x5d: {  	_ =	shalt  }
0x5e: {  	_ =	shalt  }
0x5f: {  	_ =	shalt  }
0x60: {  	_ =	shalt  }
0x61: {  	_ =	shalt  }
0x62: {  	_ =	shalt  }
0x63: {  	_ =	shalt  }
0x64: {  	_ =	shalt  }
0x65: {  	_ =	shalt  }
0x66: {  	_ =	shalt  }
0x67: {  	_ =	shalt  }
0x68: {  	_ =	shalt  }
0x69: {  	_ =	shalt  }
0x6a: {  	_ =	shalt  }
0x6b: {  	_ =	shalt  }
0x6c: {  	_ =	shalt  }
0x6d: {  	_ =	shalt  }
0x6e: {  	_ =	shalt  }
0x6f: {  	_ =	shalt  }
0x70: {  	_ =	shalt  }
0x71: {  	_ =	shalt  }
0x72: {  	_ =	shalt  }
0x73: {  	_ =	shalt  }
0x74: {  	_ =	shalt  }
0x75: {  	_ =	shalt  }
0x76: {  	_ =	shalt  }
0x77: {  	_ =	shalt  }
0x78: {  	_ =	shalt  }
0x79: {  	_ =	shalt  }
0x7a: {  	_ =	shalt  }
0x7b: {  	_ =	shalt  }
0x7c: {  	_ =	shalt  }
0x7d: {  	_ =	shalt  }
0x7e: {  	_ =	shalt  }
0x7f: {  	_ =	shalt  }
0x80: {  	_ =	shalt  }
0x81: {  	_ =	shalt  }
0x82: {  	_ =	shalt  }
0x83: {  	_ =	shalt  }
0x84: {  	_ =	shalt  }
0x85: {  	_ =	shalt  }
0x86: {  	_ =	shalt  }
0x87: {  	_ =	shalt  }
.Lfunc_end0:
.L_simem_size_0:
called_computation.3_lowered:
.L_overlay_start_0:
0x88: {  	s2 =	sld [smem:$0x3FD9]  }
0x89: {  	s3 =	sld [smem:$0x3FFE];
	_ =	sdelay $0x1  }
0x8a: {  	s1 =	srdreg.scid  }
0x8b: {  	s0 =	sand.u32 $0x1, s1  }
0x8c: {  	s16 =	sshll.u32 s0, $0xA;
	s2 =	sadd.s32 s3, s2  }
0x8d: {  	s2 =	sadd.s32 s2, s16  }
0x8e: {  	[smem:$0x3FBA] =	sst s2  }
0x8f: {  	_ = 	snop  }
0x90: {  	(tm) =	ssettm $0x1  }
0x91: {  	s17 =	sld [smem:$0x3FFB];
	_ =	sdelay $0x3  }
0x92: {  	_ =	strace s17  }
0x93: {  	s2 =	sld [smem:$0x3FFC];
	_ =	sdelay $0x3  }
0x94: {  	_ =	strace s2  }
0x95: {  	s2 =	sld [smem:$0x3FFD];
	_ =	sdelay $0x3  }
0x96: {  	_ =	strace s2  }
0x97: {  	_ =	strace $0x8FFFFFFF  }
0x98: {  	s18 =	sld [smem:$0x3FDB];
	_ =	sdelay $0x1  }
0x99: {  	s19 =	simm.s32 $_scs_section_size  }
0x9a: {  	s4 =	simm.s32 $_size__tile_overlayer_lowered;
	s5 =	simm.s32 $_tile_overlayer_lowered  }
0x9b: {  	s22 =	simm.s32 $0x1BFF;
	s21 =	sshll.u32 s5, $0x1;
	s2 =	sadd.s32 s19, s18  }
0x9c: {  	s6 =	simm.s32 $0x0;
	s20 =	sshll.u32 s4, $0x1;
	s4 =	sadd.s32 s21, s2  }
0x9d: {  	[timem:s6], [sflag:s22] =	dma.local [hbm:s4], s20  }
0x9e: {  	_ =	swait.ge [sflag:s22], s20  }
0x9f: {  	s3 =	ssub.s32 $0x0, s20;
	[sflag:s22] =	ssyncset.done $0x0  }
0xa0: {  	[sflag:s22] =	ssyncadd.s32 s3;
	_ =	sdelay $0x1  }
0xa1: {  	s23 =	simm.s32 $0x1B8B  }
0xa2: {  	_ =	swait.ge [sflag:s23], $0x1  }
0xa3: {  	[sflag:s23] =	ssyncset.done $0x0  }
0xa4: {  	s25 =	simm.s32 $0x1B8E;
	s24 =	sld [smem:$0x3FFE];
	[sflag:s23] =	ssyncadd.s32 $0xFFFFFFFF  }
0xa5: {  	s26 =	simm.s32 $execute0_lowered;
	[smem:$0x3FD2] =	sst s25  }
0xa6: {  	s4 =	sshll.u32 s26, $0x1;
	_ =	strace $0x8000004F;
	[dreg:$0x1] =	wrdreg $0xFFFFFFFF  }
0xa7: {  	s28 =	simm.s32 $_size_execute0_lowered;
	s2 =	sadd.s32 s2, s4;
	[dreg:$0x0] =	wrdreg $0x0  }
0xa8: {  	s4 =	sshll.u32 s28, $0x1;
	[dreg:$0x2] =	wrdreg s2  }
0xa9: {  	[dreg:$0x3] =	wrdreg s4  }
0xaa: {  	[dreg:$0x4] =	wrdreg $0xC0  }
0xab: {  	_ =	task [dreg:s6], $0x5FFFF  }
0xac: {  	[dreg:$0x1] =	wrdreg $0xFFFFFFFF  }
0xad: {  	[dreg:$0x0] =	wrdreg $0x60  }
0xae: {  	[dreg:$0x2] =	wrdreg s24  }
0xaf: {  	[dreg:$0x3] =	wrdreg $0x90000  }
0xb0: {  	[dreg:$0x4] =	wrdreg $0x9  }
0xb1: {  	_ =	task.clear_ibuf [dreg:s6], $0x5FFFF;
	_ =	strace $0x9000004F  }
0xb2: {  	s29 =	simm.s32 $0x9;
	_ =	strace $0x80000051  }
0xb3: {  	_ =	swait.ge [sflag:s29], $0x1  }
0xb4: {  	[sflag:s29] =	ssyncadd.s32 $0xFFFFFFFF  }
0xb5: {  	_ =	strace $0x90000051  }
0xb6: {  	_ =	sfence  }
0xb7: {  	s30 =	sld [smem:$0x0];
	_ =	sdelay $0x2  }
0xb8: {  	s31 =	sshll.u32 s1, $0xD;
	s1 =	sshrl.u32 s1, $0x2  }
0xb9: {  	s3 =	sand.u32 $0x4000, s31;
	s1 =	sadd.s32 s1, s30  }
0xba: {  	s0 =	sor.u32 s3, s0;
	s1 =	sshll.u32 s1, $0x11  }
0xbb: {  	s0 =	sor.u32 s1, s0  }
0xbc: {  	s0 =	sadd.s32 $0x8F2B, s0  }
0xbd: {  	[sflag:s0] =	ssyncadd.remote.s32 $0x1  }
0xbe: {  	_ =	sfence.sel $0xFFFF  }
0xbf: {  	[dreg:$0x0] =	wrdreg $0xFFFFFFFF;
	(pc) =	sbr.abs _section_cstart, $3  }
0xc0: {  	[dreg:$0x1] =	wrdreg $0xFFFFFFFF  }
0xc1: {  	_ =	task.clear_ibuf [dreg:s6], $0x2FFFF;
	_ =	strace $0x9FFFFFFF  }
0xc2: {  	(tm) =	ssettm $0x7FFFFFFF  }
0xc3: {  	_ =	shalt  }
tec
execute0_lowered:
.L_overlay_start_1:
0x0: {  	(tag) =	ssettag $0x1  }
0x1: {  	s7 =	rddreg [dreg:$0x0]  }
0x2: {  	s0 =	srdreg.scid;
	s2 =	rddreg [dreg:$0x1];
	s3 =	simm.s32 $0x0  }
0x3: {  	s15 =	simm.s32 $0x5000;
	s16 =	simm.s32 $0x2;
	s17 =	simm.s32 $0x2800  }
0x4: {  	s18 =	simm.s32 $0x80;
	s19 =	simm.s32 $0x1;
	s6 =	sand.u32 $0x1, s0  }
0x5: {  	s22 =	simm.s32 $0x0;
	s0 =	stileid.u32;
	s8 =	smul.u32 $0x140000, s6  }
0x6: {  	[smem:$0x7FF] =	sst s3;
	s4 =	sadd.s32 $0x5200, s7;
	s9 =	smul.u32 $0x14000, s0  }
0x7: {  	s1 =	sshll.u32 s6, $0x4;
	s10 =	smul.u32 $0x50000, s0;
	s29 =	ssub.s32 $0x2, s6  }
0x8: {  	s20 =	sshll.u32 s0, $0x6;
	s1 =	sor.u32 s0, s1;
	s31 =	sshrl.u32 s29, $0x1  }
0x9: {  	s20 =	sor.u32 $0x1C02, s20;
	s5 =	smul.u32 $0x500, s1;
	s1 =	rddreg [dreg:$0x2]  }
0xa: {  	_ =	strace $0x80000050;
	s8 =	sadd.s32 s9, s8;
	s30 =	sshrl.u32 s10, $0x2  }
0xb: {  	s14 =	ssub.s32 s29, s31;
	s8 =	sshrl.u32 s8, $0x3;
	s6 =	sadd.s32 s30, s2  }
0xc: {  	s14 =	smax.u32 s14, $0x1;
	s12 =	sadd.s32 s5, s7;
	s5 =	sadd.s32 $0x40400, s7  }
0xd: {  	s13 =	sadd.s32 s8, s7;
	s7 =	sadd.s32 $0x4000, s6;
	s8 =	sadd.s32 $0x8000, s6  }
0xe: {  	s9 =	sadd.s32 $0xC000, s6;
	s10 =	sadd.s32 $0x10000, s6;
	s21 =	sshrl.u32 s6, $0x3  }
0xf: {  	s11 =	sadd.s32 $0x36400, s12;
	s12 =	sadd.s32 $0x2C400, s12;
	s13 =	sadd.s32 $0x40C00, s13  }
.LBB2_1:
0x10: {  	[tilespmem:s15], [sflag:$0x2] =	stream.linear.gather [hbm4b:s5+s3], $0x4000, $0x38;
	[tilespmem:$0x1D000] =	vst v63  }
0x11: {  	_ =	swait.ge [sflag:s16], $0x4000  }
0x12: {  	[sflag:s16] =	ssyncset.done $0x0  }
0x13: {  	[sflag:s16] =	ssyncadd.s32 $0xFFFFC000  }
0x14: {  	[spmem:s6] =	stream.linear.scatter [tilespmem:s15], [sflag:$0x2], $0x4000, $0x38;
	[tilespmem:$0x1D000] =	vst v63  }
0x15: {  	_ =	swait.ge [sflag:s16], $0x4000  }
0x16: {  	[sflag:s16] =	ssyncset.done $0x0  }
0x17: {  	[sflag:s16] =	ssyncadd.s32 $0xFFFFC000  }
0x18: {  	[spmem:s7] =	stream.linear.scatter [tilespmem:s15], [sflag:$0x2], $0x4000, $0x38;
	[tilespmem:$0x1D000] =	vst v63  }
0x19: {  	_ =	swait.ge [sflag:s16], $0x4000  }
0x1a: {  	[sflag:s16] =	ssyncset.done $0x0  }
0x1b: {  	[sflag:s16] =	ssyncadd.s32 $0xFFFFC000  }
0x1c: {  	[spmem:s8] =	stream.linear.scatter [tilespmem:s15], [sflag:$0x2], $0x4000, $0x38;
	[tilespmem:$0x1D000] =	vst v63  }
0x1d: {  	_ =	swait.ge [sflag:s16], $0x4000  }
0x1e: {  	[sflag:s16] =	ssyncset.done $0x0  }
0x1f: {  	[sflag:s16] =	ssyncadd.s32 $0xFFFFC000  }
0x20: {  	[spmem:s9] =	stream.linear.scatter [tilespmem:s15], [sflag:$0x2], $0x4000, $0x38;
	[tilespmem:$0x1D000] =	vst v63  }
0x21: {  	_ =	swait.ge [sflag:s16], $0x4000  }
0x22: {  	[sflag:s16] =	ssyncset.done $0x0  }
0x23: {  	[sflag:s16] =	ssyncadd.s32 $0xFFFFC000  }
0x24: {  	[spmem:s10] =	stream.linear.scatter [tilespmem:s15], [sflag:$0x2], $0x4000, $0x38;
	[tilespmem:$0x1D000] =	vst v63  }
0x25: {  	_ =	swait.ge [sflag:s16], $0x4000  }
0x26: {  	[sflag:s16] =	ssyncset.done $0x0  }
0x27: {  	[sflag:s16] =	ssyncadd.s32 $0xFFFFC000  }
0x28: {  	[bflag:$0x0] =	sbarrier.arrive $0xFFFF  }
0x29: {  	[tilespmem:s3], [sflag:$0x2] =	stream.linear.gather [hbm4b:s11+s3], $0x2800, $0x38;
	[tilespmem:$0x1D000] =	vst v63  }
0x2a: {  	_ =	swait.ge [sflag:s16], $0x2800  }
0x2b: {  	[sflag:s16] =	ssyncset.done $0x0  }
0x2c: {  	[sflag:s16] =	ssyncadd.s32 $0xFFFFD800  }
0x2d: {  	[tilespmem:s17], [sflag:$0x2] =	stream.linear.gather [hbm4b:s12+s3], $0x2800, $0x38;
	[tilespmem:$0x1D000] =	vst v63  }
0x2e: {  	_ =	swait.ge [sflag:s16], $0x2800  }
0x2f: {  	[sflag:s16] =	ssyncset.done $0x0  }
0x30: {  	s23 =	simm.s32 $0x0;
	[sflag:s16] =	ssyncadd.s32 $0xFFFFD800  }
0x31: {  	[tilespmem:s15], [sflag:$0x1] =	stream.indirect.gather [hbm4b:s4+s18], $0x80, s23, s18, $0xb8;
	[tilespmem:$0x1D000] =	vst v63  }
0x32: {  	_ =	swait.ge [sflag:s19], $0x4000  }
0x33: {  	[sflag:s19] =	ssyncset.done $0x0  }
0x34: {  	s31 =	simm.s32 $0x2800;
	[sflag:s19] =	ssyncadd.s32 $0xFFFFC000  }
0x35: {  	[spmem:s2] =	stream.indirect.scatter.add.f32 [tilespmem:s15], [sflag:$0x2], $0x80, s31, s18, $0xb8;
	[tilespmem:$0x1D000] =	vst v63  }
0x36: {  	_ =	swait.ge [sflag:s16], $0x4000  }
0x37: {  	s24 =	simm.s32 $0x400;
	s23 =	simm.s32 $0x200;
	[sflag:s16] =	ssyncset.done $0x0  }
.LBB2_2:
0x38: {  	s25 =	sshra.s32 s23, $0x2  }
0x39: {  	[sflag:s16] =	ssyncadd.s32 $0xFFFFC000;
	s23 =	smov.u32 s24;
	s26 =	sadd.s32 $0x200, s24  }
0x3a: {  	[tilespmem:s15], [sflag:$0x1] =	stream.indirect.gather [hbm4b:s4+s18], $0x80, s25, s18, $0xb8;
	[tilespmem:$0x1D000] =	vst v63  }
0x3b: {  	p0 =	sne.s32 s24, $0x9E00;
	_ =	swait.ge [sflag:s19], $0x4000  }
.Ltmp0:
0x3c: {  	[sflag:s19] =	ssyncset.done $0x0;
	(pc) =	sbr.rel @p0 .LBB2_2-.Ltmp0, $4  }
0x3d: {  	s24 =	sadd.s32 $0x2800, s25;
	[sflag:s19] =	ssyncadd.s32 $0xFFFFC000  }
0x3e: {  	[spmem:s2] =	stream.indirect.scatter.add.f32 [tilespmem:s15], [sflag:$0x2], $0x80, s24, s18, $0xb8;
	[tilespmem:$0x1D000] =	vst v63  }
0x3f: {  	_ =	swait.ge [sflag:s16], $0x4000  }
0x40: {  	s24 =	smov.u32 s26;
	[sflag:s16] =	ssyncset.done $0x0  }
0x41: {  	s23 =	sshra.s32 s23, $0x2;
	[sflag:s16] =	ssyncadd.s32 $0xFFFFC000  }
0x42: {  	[tilespmem:s15], [sflag:$0x1] =	stream.indirect.gather [hbm4b:s4+s18], $0x80, s23, s18, $0xb8;
	[tilespmem:$0x1D000] =	vst v63  }
0x43: {  	_ =	swait.ge [sflag:s19], $0x4000  }
0x44: {  	[sflag:s19] =	ssyncset.done $0x0  }
0x45: {  	s23 =	sadd.s32 $0x2800, s23;
	[sflag:s19] =	ssyncadd.s32 $0xFFFFC000  }
0x46: {  	[spmem:s2] =	stream.indirect.scatter.add.f32 [tilespmem:s15], [sflag:$0x2], $0x80, s23, s18, $0xb8;
	[tilespmem:$0x1D000] =	vst v63  }
0x47: {  	_ =	swait.ge [sflag:s16], $0x4000  }
0x48: {  	s22 =	sadd.s32 $0x1, s22;
	[sflag:s16] =	ssyncset.done $0x0  }
0x49: {  	p0 =	sne.s32 s22, s14;
	[sflag:s16] =	ssyncadd.s32 $0xFFFFC000  }
.Ltmp1:
0x4a: {  	[bflag:$0x0] =	sbarrier.arrive $0xFFFF;
	(pc) =	sbr.rel @p0 .LBB2_1-.Ltmp1, $4  }
0x4b: {  	[hbm:s13], [sflag:s20] =	dma.local [spmem:s21], $0x2800  }
0x4c: {  	_ =	swait.ge [sflag:s16], $0x2800  }
0x4d: {  	[sflag:s16] =	ssyncset.done $0x0  }
0x4e: {  	[sflag:s16] =	ssyncadd.s32 $0xFFFFD800  }
0x4f: {  	_ =	sfence.sel $0x180000  }
0x50: {  	[bflag:$0x0] =	sbarrier.arrive $0xFFFF  }
0x51: {  	p0 =	sne.s32 s0, $0x0;
	_ =	strace $0x90000050  }
0x52: {  	s0 =	sadd.s32 @!p0 $0x100000, s1;
	[bflag:$0x2] =	sbarrier.arrive $0xFFFF  }
0x53: {  	[sflag:s0] =	ssyncadd.tile.s32 @!p0 $0x1;
	_ =	shalt  }
.Lfunc_end2:
_tile_overlayer_lowered:
.L_overlay_start_2:
0x54: {  	(tag) =	ssettag $0x2  }
0x55: {  	s0 =	rddreg [dreg:$0x0];
	s2 =	stileid.u32  }
0x56: {  	s1 =	rddreg [dreg:$0x1];
	p0 =	sne.s32 s2, $0x0  }
0x57: {  	s3 =	rddreg [dreg:$0x2];
	[bflag:$0x3] =	sbarrier.arrive $0xFFFF;
	s2 =	simm.s32 @!p0 $0x1C02  }
0x58: {  	[timem:s3], [sflag:s2] =	dma.local @!p0 [hbm:s0], s1  }
0x59: {  	s0 =	simm.s32 @!p0 $0x2  }
0x5a: {  	_ =	swait.ge @!p0 [sflag:s0], s1  }
0x5b: {  	s1 =	ssub.s32 @!p0 $0x0, s1;
	[sflag:s0] =	ssyncset.done @!p0 $0x0  }
0x5c: {  	[sflag:s0] =	ssyncadd.s32 @!p0 s1  }
0x5d: {  	[bflag:$0x3] =	sbarrier.arrive $0xFFFF  }
0x5e: {  	_ =	shalt  }

</sc_bundles>
